<compile_context>
chip_gen: v7x
topology: tpu7x:2x2x1
jax: 0.10.2.dev20260603
libtpu: 0.0.44.dev20260713+nightly
codegen_flags: <defaults>
</compile_context>

<pallas_src>
import functools

import jax
import jax.numpy as jnp
from jax import lax
from jax.experimental import pallas as pl
from jax.experimental.pallas import tpu as pltpu
from jax.experimental.pallas import tpu_sc as plsc

BTYPES = 4
L = 200
H = 64
NLANE = 16
NSUB = 16
SLOTS = 256
NBUF = BTYPES * SLOTS
CHK = 128


def _mesh():
    return plsc.VectorSubcoreMesh(
        core_axis_name="c", subcore_axis_name="s",
        num_cores=2, num_subcores=NSUB)


def _sc_counts(bt_t):
    chunk = bt_t.shape[1]
    sub_len = chunk // NLANE

    @functools.partial(
        pl.kernel,
        out_type=jax.ShapeDtypeStruct((NSUB, BTYPES, NLANE), jnp.int32),
        mesh=_mesh(),
        scratch_types=[
            pltpu.VMEM((chunk,), jnp.int32),
            pltpu.VMEM((BTYPES, NLANE), jnp.int32),
        ],
    )
    def k(bt_hbm, cnt_hbm, bt_v, cnt4_v):
        cid = lax.axis_index("c")
        wid = lax.axis_index("s")

        @pl.when(cid == 0)
        def _():
            zero = jnp.zeros((NLANE,), jnp.int32)
            one = jnp.full((NLANE,), 1, jnp.int32)
            pltpu.sync_copy(bt_hbm.at[wid], bt_v)

            def p1(i, acc):
                v = bt_v[pl.ds(i * NLANE, NLANE)]
                return tuple(acc[b] + jnp.where(v == (b + 1), one, zero)
                             for b in range(BTYPES))
            acc = lax.fori_loop(0, sub_len, p1, (zero,) * BTYPES)
            for b in range(BTYPES):
                cnt4_v[b] = acc[b]
            pltpu.sync_copy(cnt4_v, cnt_hbm.at[wid])

    return k(bt_t)


def _tc_prefix(c256):
    nsc = NSUB * NLANE

    def body(c_ref, st_ref, aux_ref):
        cf = c_ref[...].astype(jnp.float32)
        ri = lax.broadcasted_iota(jnp.int32, (nsc, nsc), 0)
        ci = lax.broadcasted_iota(jnp.int32, (nsc, nsc), 1)
        tmat = jnp.where(ri < ci, 1.0, 0.0)
        ex = jnp.dot(cf, tmat, preferred_element_type=jnp.float32)
        st_ref[...] = ex.astype(jnp.int32)
        tot = jnp.sum(c_ref[...], axis=1, keepdims=True)
        thr = jnp.maximum(tot - L, 0)
        off = (L - 1) - tot
        aux_ref[...] = jnp.concatenate(
            [jnp.broadcast_to(thr, (BTYPES, NLANE)),
             jnp.broadcast_to(off, (BTYPES, NLANE)),
             jnp.broadcast_to(tot, (BTYPES, NLANE))], axis=0)

    return pl.pallas_call(
        body,
        out_shape=(
            jax.ShapeDtypeStruct((BTYPES, nsc), jnp.int32),
            jax.ShapeDtypeStruct((3 * BTYPES, NLANE), jnp.int32),
        ),
    )(c256)


def _sc_select(bt_t, embs_flat, starts_t, aux):
    chunk = bt_t.shape[1]
    sub_len = chunk // NLANE
    epw = NBUF // NSUB
    nchunks = chunk // CHK
    vper = CHK // NLANE

    @functools.partial(
        pl.kernel,
        out_type=jax.ShapeDtypeStruct((NBUF, H), jnp.float32),
        mesh=_mesh(),
        compiler_params=pltpu.CompilerParams(use_tc_tiling_on_sc=False),
        scratch_types=[
            pltpu.VMEM((chunk,), jnp.int32),
            pltpu.VMEM((BTYPES, NLANE), jnp.int32),
            pltpu.VMEM((2 * BTYPES, NLANE), jnp.int32),
            pltpu.VMEM((chunk,), jnp.int32),
            pltpu.VMEM((chunk,), jnp.int32),
            pltpu.VMEM((NBUF,), jnp.int32),
            pltpu.VMEM((epw,), jnp.int32),
            pltpu.VMEM((epw,), jnp.int32),
            pltpu.VMEM((epw, H), jnp.float32),
            pltpu.VMEM_SHARED((NBUF,), jnp.int32),
            pltpu.SemaphoreType.DMA,
        ],
    )
    def k(bt_hbm, embs_hbm, st_hbm, aux_hbm, seq_hbm,
          bt_v, st_v, to_v, slot_v, val_v, zb_v, mg_v, idx_v, rows_v,
          msh, sem):
        cid = lax.axis_index("c")
        wid = lax.axis_index("s")

        @pl.when(cid == 0)
        def _():
            iota = lax.iota(jnp.int32, NLANE)
            zero = jnp.zeros((NLANE,), jnp.int32)
            one = jnp.full((NLANE,), 1, jnp.int32)

            for i in range(NBUF // NLANE):
                zb_v[pl.ds(i * NLANE, NLANE)] = zero

            @pl.when(wid == 0)
            def _():
                pltpu.sync_copy(zb_v, msh)

            pltpu.sync_copy(bt_hbm.at[wid], bt_v)
            pltpu.sync_copy(st_hbm.at[wid], st_v)
            pltpu.sync_copy(aux_hbm.at[pl.ds(0, 2 * BTYPES)], to_v)

            starts = [st_v[b] for b in range(BTYPES)]
            off2 = [to_v[BTYPES + b] + (b * SLOTS + 1) for b in range(BTYPES)]
            floor = [jnp.full((NLANE,), b * SLOTS, jnp.int32)
                     for b in range(BTYPES)]
            pos_base = (wid * NLANE + iota) * sub_len + 1

            def step(i, carry):
                v = bt_v[pl.ds(i * NLANE, NLANE)]
                pos1 = pos_base + i
                new = []
                slotc = zero
                valc = zero
                for b in range(BTYPES):
                    mi = jnp.where(v == (b + 1), one, zero)
                    r = carry[b] + mi
                    sraw = r + off2[b]
                    ki = jnp.where(mi * sraw - floor[b] > zero, one, zero)
                    slot = jnp.maximum(sraw - 1, floor[b])
                    slotc = slotc + mi * slot
                    valc = valc + ki
                    new.append(r)
                val_v[pl.ds(i * NLANE, NLANE)] = valc * pos1
                slot_v[pl.ds(i * NLANE, NLANE)] = slotc
                return tuple(new)

            def p2(i2, carry):
                carry = step(i2 * 2, carry)
                return step(i2 * 2 + 1, carry)

            lax.fori_loop(0, sub_len // 2, p2, tuple(starts))

            plsc.subcore_barrier()

            def merge(j, carry):
                pltpu.async_copy(
                    val_v.at[pl.ds(j * CHK, CHK)],
                    msh.at[slot_v.at[pl.ds(j * CHK, CHK)]],
                    sem, add=True)
                return carry

            lax.fori_loop(0, nchunks, merge, 0)
            pltpu.make_async_copy(bt_hbm.at[wid], val_v, sem).wait()
            plsc.subcore_barrier()

            pltpu.sync_copy(msh.at[pl.ds(wid * epw, epw)], mg_v)
            for j in range(epw // NLANE):
                idx_v[pl.ds(j * NLANE, NLANE)] = jnp.maximum(
                    mg_v[pl.ds(j * NLANE, NLANE)] - one, zero)
            pltpu.async_copy(embs_hbm.at[idx_v], rows_v, sem).wait()
            pltpu.sync_copy(rows_v, seq_hbm.at[pl.ds(wid * epw, epw)])

    return k(bt_t, embs_flat, starts_t, aux)


def _tc_broadcast(seq_pad, tot):
    batch = 1024
    bt_tile = 64
    nbt = batch // bt_tile

    def body(tot_ref, seq_ref, out_ref):
        b = pl.program_id(0)
        thr = L - tot_ref[b]
        row = lax.broadcasted_iota(jnp.int32, (1, L, H), 1)
        s = jnp.where(row >= thr, seq_ref[:, :L, :], 0.0)
        out_ref[...] = jnp.broadcast_to(s[:, None, :, :],
                                        (1, bt_tile, L, H))

    return pl.pallas_call(
        body,
        grid=(BTYPES, nbt),
        in_specs=[
            pl.BlockSpec(memory_space=pltpu.SMEM),
            pl.BlockSpec((1, SLOTS, H), lambda b, j: (b, 0, 0)),
        ],
        out_specs=pl.BlockSpec((1, bt_tile, L, H), lambda b, j: (b, j, 0, 0)),
        out_shape=jax.ShapeDtypeStruct((BTYPES, batch, L, H), jnp.float32),
    )(tot, seq_pad)


def kernel(input_embs, input_bt):
    bb, ll, hh = input_embs.shape
    n_tok = bb * ll
    nsc = NSUB * NLANE
    sub_len = n_tok // nsc
    embs_flat = input_embs.reshape(-1, hh)
    bt_t = (input_bt.reshape(NSUB, NLANE, sub_len)
            .transpose(0, 2, 1).reshape(NSUB, sub_len * NLANE))

    counts = _sc_counts(bt_t)
    c256 = counts.transpose(1, 0, 2).reshape(BTYPES, nsc)
    starts256, aux = _tc_prefix(c256)
    starts_t = (starts256.reshape(BTYPES, NSUB, NLANE)
                .transpose(1, 0, 2))
    seq_pad = _sc_select(bt_t, embs_flat, starts_t, aux)
    tot = aux[2 * BTYPES:, 0]
    return _tc_broadcast(seq_pad.reshape(BTYPES, SLOTS, hh), tot)

# --- scband reference (transcript-rebuilt; emitter-appended) ---
"""Pipeline reference for scband-behavior-specific-42863773614188 (READ-ONLY COPY).

The authoritative reference and input builder live on the scoring server;
editing this copy changes nothing except your own understanding.
"""

import jax, jax.numpy as jnp
import numpy as np

BEHAVIOR_TYPES = 4
B, L, H = 1024, 200, 64


def setup_inputs(seed: int = 0) -> dict:
    key = jax.random.key(seed)
    k1, k2 = jax.random.split(key)
    input_embs = jax.random.normal(k1, (B, L, H), dtype=jnp.float32)
    input_bt = jax.random.randint(k2, (B, L), 0, 5, dtype=jnp.int32)
    return {"input_embs": input_embs, "input_bt": input_bt}


def reference(input_embs, input_bt):
    Bb, Ll, Hh = input_embs.shape
    outs = []
    for b in range(1, BEHAVIOR_TYPES + 1):
        mask = (input_bt == b)
        bs_mask = mask.astype(input_embs.dtype)[..., None]
        loc_embs_b = input_embs * bs_mask
        flat_mask = mask.reshape(-1)
        flat_embs = loc_embs_b.reshape(-1, Hh)
        csum = jnp.cumsum(flat_mask.astype(jnp.int32))
        total = csum[-1]
        rank = csum  # 1-based rank at masked positions
        # target slot for a masked element of rank r: right-align last min(total, Ll)
        pos = Ll - total + rank - 1
        keep = flat_mask & (rank > total - Ll)
        pos_safe = jnp.where(keep, pos, Ll)
        seq = jnp.zeros((Ll, Hh), dtype=input_embs.dtype)
        seq = seq.at[pos_safe].set(flat_embs, mode='drop')
        z = jnp.broadcast_to(seq[None, :, :], (Bb, Ll, Hh))
        outs.append(z)
    # stack behavior-specific sequences (torch returns dict {1..BT: tensor})
    return jnp.stack(outs, axis=0)

if __name__ == "__main__":
    import jax
    _d = setup_inputs()
    print(jax.jit(kernel)(*tuple(_d.values())))

</pallas_src>

<mosaic_0001>
#map = affine_map<(d0, d1) -> (0, 0)>
#map1 = affine_map<(d0, d1) -> (0, 0, 0)>
module attributes {stable_mosaic.version = 14 : i64} {
  func.func @k(%arg0: i32, %arg1: i32, %arg2: memref<16x12800xi32, #tpu.memory_space<hbm>>, %arg3: memref<16x4x16xi32, #tpu.memory_space<hbm>>, %arg4: memref<12800xi32, #tpu.memory_space<vmem>>, %arg5: memref<4x16xi32, #tpu.memory_space<vmem>>) attributes {dimension_semantics = [#tpu.dimension_semantics<core_parallel>, #tpu.dimension_semantics<subcore_parallel>], iteration_bounds = array<i64: 2, 16>, scalar_prefetch = 0 : i64, scratch_operands = 2 : i64, tpu.core_type = #tpu.core_type<sc_vector_subcore>, window_params = [{transform_indices = #map}, {transform_indices = #map1}]} {
    %eq3A = arith.constant 0 : i32
    %eq3A_0 = arith.cmpi eq, %arg0, %eq3A : i32
    %convert_element_type3A = arith.extui %eq3A_0 : i1 to i32
    %cond3A = arith.constant 0 : i32
    %cond3A_1 = arith.cmpi ne, %convert_element_type3A, %cond3A : i32
    scf.if %cond3A_1 {
      %broadcast_in_dim3A = arith.constant 0 : i32
      %broadcast_in_dim3A_2 = vector.broadcast %broadcast_in_dim3A : i32 to vector<16xi32>
      %broadcast_in_dim3A_3 = arith.constant 1 : i32
      %broadcast_in_dim3A_4 = vector.broadcast %broadcast_in_dim3A_3 : i32 to vector<16xi32>
      "tpu.region"() ({
        %run_scoped3A = tpu.sem_alloc : memref<!tpu.dma_semaphore, #tpu.memory_space<semaphore_mem>>
        %dma_start3A = arith.constant 0 : i32
        %dma_start3A_33 = tpu.memref_slice %arg2[%arg1, %dma_start3A] : memref<16x12800xi32, #tpu.memory_space<hbm>> -> memref<1x12800xi32, #tpu.memory_space<hbm>>
        %dma_start3A_34 = tpu.memref_squeeze %dma_start3A_33 : memref<1x12800xi32, #tpu.memory_space<hbm>> -> memref<12800xi32, #tpu.memory_space<hbm>>
        %dma_start3A_35 = arith.constant 0 : i32
        %dma_start3A_36 = tpu.memref_slice %arg2[%arg1, %dma_start3A_35] : memref<16x12800xi32, #tpu.memory_space<hbm>> -> memref<1x12800xi32, #tpu.memory_space<hbm>>
        %dma_start3A_37 = tpu.memref_squeeze %dma_start3A_36 : memref<1x12800xi32, #tpu.memory_space<hbm>> -> memref<12800xi32, #tpu.memory_space<hbm>>
        tpu.enqueue_dma source(%dma_start3A_37 : memref<12800xi32, #tpu.memory_space<hbm>>) target(%arg4 : memref<12800xi32, #tpu.memory_space<vmem>>) target_semaphore(%run_scoped3A : memref<!tpu.dma_semaphore, #tpu.memory_space<semaphore_mem>>)
        %dma_wait3A = arith.constant 0 : i32
        %dma_wait3A_38 = tpu.memref_slice %arg2[%arg1, %dma_wait3A] : memref<16x12800xi32, #tpu.memory_space<hbm>> -> memref<1x12800xi32, #tpu.memory_space<hbm>>
        %dma_wait3A_39 = tpu.memref_squeeze %dma_wait3A_38 : memref<1x12800xi32, #tpu.memory_space<hbm>> -> memref<12800xi32, #tpu.memory_space<hbm>>
        %dma_wait3A_40 = arith.constant 0 : i32
        %dma_wait3A_41 = tpu.memref_slice %arg2[%arg1, %dma_wait3A_40] : memref<16x12800xi32, #tpu.memory_space<hbm>> -> memref<1x12800xi32, #tpu.memory_space<hbm>>
        %dma_wait3A_42 = tpu.memref_squeeze %dma_wait3A_41 : memref<1x12800xi32, #tpu.memory_space<hbm>> -> memref<12800xi32, #tpu.memory_space<hbm>>
        tpu.wait_dma2 semaphore(%run_scoped3A : memref<!tpu.dma_semaphore, #tpu.memory_space<semaphore_mem>>) src(%dma_wait3A_42 : memref<12800xi32, #tpu.memory_space<hbm>>) dst(%arg4 : memref<12800xi32, #tpu.memory_space<vmem>>)
        tpu.yield
      }) : () -> ()
      %scan3A = arith.constant 0 : i32
      %scan3A_5 = arith.constant 800 : i32
      %scan3A_6 = arith.addi %scan3A, %scan3A_5 : i32
      %scan3A_7 = arith.constant 1 : i32
      %scan3A_8:4 = scf.for %scan3A_33 = %scan3A to %scan3A_6 step %scan3A_7 iter_args(%scan3A_34 = %broadcast_in_dim3A_2, %scan3A_35 = %broadcast_in_dim3A_2, %scan3A_36 = %broadcast_in_dim3A_2, %scan3A_37 = %broadcast_in_dim3A_2) -> (vector<16xi32>, vector<16xi32>, vector<16xi32>, vector<16xi32>)  : i32 {
        %mul3A = arith.constant 16 : i32
        %mul3A_38 = arith.muli %scan3A_33, %mul3A : i32
        %get3A = arith.index_cast %mul3A_38 : i32 to index
        %get3A_39 = tpu.vector_load %arg4[%get3A] {strides = array<i32>} : memref<12800xi32, #tpu.memory_space<vmem>>, vector<16xi32>,
        %get3A_40 = vector.shape_cast %get3A_39 : vector<16xi32> to vector<16xi32>
        %eq3A_41 = arith.constant 1 : i32
        %eq3A_42 = vector.broadcast %eq3A_41 : i32 to vector<16xi32>
        %eq3A_43 = arith.cmpi eq, %get3A_40, %eq3A_42 : vector<16xi32>
        %select_n3A = arith.select %eq3A_43, %broadcast_in_dim3A_4, %broadcast_in_dim3A_2 : vector<16xi1>, vector<16xi32>
        %add3A = arith.addi %scan3A_34, %select_n3A : vector<16xi32>
        %eq3A_44 = arith.constant 2 : i32
        %eq3A_45 = vector.broadcast %eq3A_44 : i32 to vector<16xi32>
        %eq3A_46 = arith.cmpi eq, %get3A_40, %eq3A_45 : vector<16xi32>
        %select_n3A_47 = arith.select %eq3A_46, %broadcast_in_dim3A_4, %broadcast_in_dim3A_2 : vector<16xi1>, vector<16xi32>
        %add3A_48 = arith.addi %scan3A_35, %select_n3A_47 : vector<16xi32>
        %eq3A_49 = arith.constant 3 : i32
        %eq3A_50 = vector.broadcast %eq3A_49 : i32 to vector<16xi32>
        %eq3A_51 = arith.cmpi eq, %get3A_40, %eq3A_50 : vector<16xi32>
        %select_n3A_52 = arith.select %eq3A_51, %broadcast_in_dim3A_4, %broadcast_in_dim3A_2 : vector<16xi1>, vector<16xi32>
        %add3A_53 = arith.addi %scan3A_36, %select_n3A_52 : vector<16xi32>
        %eq3A_54 = arith.constant 4 : i32
        %eq3A_55 = vector.broadcast %eq3A_54 : i32 to vector<16xi32>
        %eq3A_56 = arith.cmpi eq, %get3A_40, %eq3A_55 : vector<16xi32>
        %select_n3A_57 = arith.select %eq3A_56, %broadcast_in_dim3A_4, %broadcast_in_dim3A_2 : vector<16xi1>, vector<16xi32>
        %add3A_58 = arith.addi %scan3A_37, %select_n3A_57 : vector<16xi32>
        scf.yield %add3A, %add3A_48, %add3A_53, %add3A_58 : vector<16xi32>, vector<16xi32>, vector<16xi32>, vector<16xi32>
      }
      %scan3A_9 = arith.constant 800 : i32
      %swap3A = arith.constant 0 : i32
      %swap3A_10 = arith.index_cast %swap3A : i32 to index
      %swap3A_11 = arith.constant 0 : index
      %swap3A_12 = tpu.vector_load %arg5[%swap3A_10, %swap3A_11] {strides = array<i32>} : memref<4x16xi32, #tpu.memory_space<vmem>>, vector<1x16xi32>,
      %swap3A_13 = vector.shape_cast %swap3A_12 : vector<1x16xi32> to vector<16xi32>
      %swap3A_14 = vector.shape_cast %scan3A_8#0 : vector<16xi32> to vector<1x16xi32>
      tpu.vector_store %arg5[%swap3A_10, %swap3A_11], %swap3A_14 {strides = array<i32>} : memref<4x16xi32, #tpu.memory_space<vmem>>, vector<1x16xi32>,
      %swap3A_15 = arith.constant 1 : i32
      %swap3A_16 = arith.index_cast %swap3A_15 : i32 to index
      %swap3A_17 = arith.constant 0 : index
      %swap3A_18 = tpu.vector_load %arg5[%swap3A_16, %swap3A_17] {strides = array<i32>} : memref<4x16xi32, #tpu.memory_space<vmem>>, vector<1x16xi32>,
      %swap3A_19 = vector.shape_cast %swap3A_18 : vector<1x16xi32> to vector<16xi32>
      %swap3A_20 = vector.shape_cast %scan3A_8#1 : vector<16xi32> to vector<1x16xi32>
      tpu.vector_store %arg5[%swap3A_16, %swap3A_17], %swap3A_20 {strides = array<i32>} : memref<4x16xi32, #tpu.memory_space<vmem>>, vector<1x16xi32>,
      %swap3A_21 = arith.constant 2 : i32
      %swap3A_22 = arith.index_cast %swap3A_21 : i32 to index
      %swap3A_23 = arith.constant 0 : index
      %swap3A_24 = tpu.vector_load %arg5[%swap3A_22, %swap3A_23] {strides = array<i32>} : memref<4x16xi32, #tpu.memory_space<vmem>>, vector<1x16xi32>,
      %swap3A_25 = vector.shape_cast %swap3A_24 : vector<1x16xi32> to vector<16xi32>
      %swap3A_26 = vector.shape_cast %scan3A_8#2 : vector<16xi32> to vector<1x16xi32>
      tpu.vector_store %arg5[%swap3A_22, %swap3A_23], %swap3A_26 {strides = array<i32>} : memref<4x16xi32, #tpu.memory_space<vmem>>, vector<1x16xi32>,
      %swap3A_27 = arith.constant 3 : i32
      %swap3A_28 = arith.index_cast %swap3A_27 : i32 to index
      %swap3A_29 = arith.constant 0 : index
      %swap3A_30 = tpu.vector_load %arg5[%swap3A_28, %swap3A_29] {strides = array<i32>} : memref<4x16xi32, #tpu.memory_space<vmem>>, vector<1x16xi32>,
      %swap3A_31 = vector.shape_cast %swap3A_30 : vector<1x16xi32> to vector<16xi32>
      %swap3A_32 = vector.shape_cast %scan3A_8#3 : vector<16xi32> to vector<1x16xi32>
      tpu.vector_store %arg5[%swap3A_28, %swap3A_29], %swap3A_32 {strides = array<i32>} : memref<4x16xi32, #tpu.memory_space<vmem>>, vector<1x16xi32>,
      "tpu.region"() ({
        %run_scoped3A = tpu.sem_alloc : memref<!tpu.dma_semaphore, #tpu.memory_space<semaphore_mem>>
        %dma_start3A = arith.constant 0 : i32
        %dma_start3A_33 = arith.constant 0 : i32
        %dma_start3A_34 = tpu.memref_slice %arg3[%arg1, %dma_start3A, %dma_start3A_33] : memref<16x4x16xi32, #tpu.memory_space<hbm>> -> memref<1x4x16xi32, #tpu.memory_space<hbm>>
        %dma_start3A_35 = tpu.memref_squeeze %dma_start3A_34 : memref<1x4x16xi32, #tpu.memory_space<hbm>> -> memref<4x16xi32, #tpu.memory_space<hbm>>
        %dma_start3A_36 = arith.constant 0 : i32
        %dma_start3A_37 = arith.constant 0 : i32
        %dma_start3A_38 = tpu.memref_slice %arg3[%arg1, %dma_start3A_36, %dma_start3A_37] : memref<16x4x16xi32, #tpu.memory_space<hbm>> -> memref<1x4x16xi32, #tpu.memory_space<hbm>>
        %dma_start3A_39 = tpu.memref_squeeze %dma_start3A_38 : memref<1x4x16xi32, #tpu.memory_space<hbm>> -> memref<4x16xi32, #tpu.memory_space<hbm>>
        tpu.enqueue_dma source(%arg5 : memref<4x16xi32, #tpu.memory_space<vmem>>) target(%dma_start3A_39 : memref<4x16xi32, #tpu.memory_space<hbm>>) target_semaphore(%run_scoped3A : memref<!tpu.dma_semaphore, #tpu.memory_space<semaphore_mem>>)
        %dma_wait3A = arith.constant 0 : i32
        %dma_wait3A_40 = arith.constant 0 : i32
        %dma_wait3A_41 = tpu.memref_slice %arg3[%arg1, %dma_wait3A, %dma_wait3A_40] : memref<16x4x16xi32, #tpu.memory_space<hbm>> -> memref<1x4x16xi32, #tpu.memory_space<hbm>>
        %dma_wait3A_42 = tpu.memref_squeeze %dma_wait3A_41 : memref<1x4x16xi32, #tpu.memory_space<hbm>> -> memref<4x16xi32, #tpu.memory_space<hbm>>
        %dma_wait3A_43 = arith.constant 0 : i32
        %dma_wait3A_44 = arith.constant 0 : i32
        %dma_wait3A_45 = tpu.memref_slice %arg3[%arg1, %dma_wait3A_43, %dma_wait3A_44] : memref<16x4x16xi32, #tpu.memory_space<hbm>> -> memref<1x4x16xi32, #tpu.memory_space<hbm>>
        %dma_wait3A_46 = tpu.memref_squeeze %dma_wait3A_45 : memref<1x4x16xi32, #tpu.memory_space<hbm>> -> memref<4x16xi32, #tpu.memory_space<hbm>>
        tpu.wait_dma2 semaphore(%run_scoped3A : memref<!tpu.dma_semaphore, #tpu.memory_space<semaphore_mem>>) src(%arg5 : memref<4x16xi32, #tpu.memory_space<vmem>>) dst(%dma_wait3A_46 : memref<4x16xi32, #tpu.memory_space<hbm>>)
        tpu.yield
      }) : () -> ()
    } else {
    }
    return
  }
}

#map = affine_map<(d0, d1) -> (0, 0)>
#map1 = affine_map<(d0, d1) -> (0, 0, 0)>
module attributes {stable_mosaic.version = 14 : i64} {
  func.func @k(%arg0: i32, %arg1: i32, %arg2: memref<16x12800xi32, #tpu.memory_space<hbm>>, %arg3: memref<204800x64xf32, #tpu.memory_space<hbm>>, %arg4: memref<16x4x16xi32, #tpu.memory_space<hbm>>, %arg5: memref<12x16xi32, #tpu.memory_space<hbm>>, %arg6: memref<1024x64xf32, #tpu.memory_space<hbm>>, %arg7: memref<12800xi32, #tpu.memory_space<vmem>>, %arg8: memref<4x16xi32, #tpu.memory_space<vmem>>, %arg9: memref<8x16xi32, #tpu.memory_space<vmem>>, %arg10: memref<12800xi32, #tpu.memory_space<vmem>>, %arg11: memref<12800xi32, #tpu.memory_space<vmem>>, %arg12: memref<1024xi32, #tpu.memory_space<vmem>>, %arg13: memref<64xi32, #tpu.memory_space<vmem>>, %arg14: memref<64xi32, #tpu.memory_space<vmem>>, %arg15: memref<64x64xf32, #tpu.memory_space<vmem>>, %arg16: memref<1024xi32, #tpu.memory_space<vmem_shared>>, %arg17: memref<!tpu.dma_semaphore, #tpu.memory_space<semaphore_mem>>) attributes {dimension_semantics = [#tpu.dimension_semantics<core_parallel>, #tpu.dimension_semantics<subcore_parallel>], iteration_bounds = array<i64: 2, 16>, scalar_prefetch = 0 : i64, scratch_operands = 11 : i64, tpu.core_type = #tpu.core_type<sc_vector_subcore>, window_params = [{transform_indices = #map}, {transform_indices = #map}, {transform_indices = #map1}, {transform_indices = #map}, {transform_indices = #map}]} {
    %eq3A = arith.constant 0 : i32
    %eq3A_0 = arith.cmpi eq, %arg0, %eq3A : i32
    %convert_element_type3A = arith.extui %eq3A_0 : i1 to i32
    %cond3A = arith.constant 0 : i32
    %cond3A_1 = arith.cmpi ne, %convert_element_type3A, %cond3A : i32
    scf.if %cond3A_1 {
      %iota3A = tpu.iota {dimensions = array<i32: 0>} : vector<16xi32>
      %broadcast_in_dim3A = arith.constant 0 : i32
      %broadcast_in_dim3A_2 = vector.broadcast %broadcast_in_dim3A : i32 to vector<16xi32>
      %broadcast_in_dim3A_3 = arith.constant 1 : i32
      %broadcast_in_dim3A_4 = vector.broadcast %broadcast_in_dim3A_3 : i32 to vector<16xi32>
      %swap3A = arith.constant 0 : index
      %swap3A_5 = tpu.vector_load %arg12[%swap3A] {strides = array<i32>} : memref<1024xi32, #tpu.memory_space<vmem>>, vector<16xi32>,
      %swap3A_6 = vector.shape_cast %swap3A_5 : vector<16xi32> to vector<16xi32>
      %swap3A_7 = vector.shape_cast %broadcast_in_dim3A_2 : vector<16xi32> to vector<16xi32>
      tpu.vector_store %arg12[%swap3A], %swap3A_7 {strides = array<i32>} : memref<1024xi32, #tpu.memory_space<vmem>>, vector<16xi32>,
      %swap3A_8 = arith.constant 16 : index
      %swap3A_9 = tpu.vector_load %arg12[%swap3A_8] {strides = array<i32>} : memref<1024xi32, #tpu.memory_space<vmem>>, vector<16xi32>,
      %swap3A_10 = vector.shape_cast %swap3A_9 : vector<16xi32> to vector<16xi32>
      %swap3A_11 = vector.shape_cast %broadcast_in_dim3A_2 : vector<16xi32> to vector<16xi32>
      tpu.vector_store %arg12[%swap3A_8], %swap3A_11 {strides = array<i32>} : memref<1024xi32, #tpu.memory_space<vmem>>, vector<16xi32>,
      %swap3A_12 = arith.constant 32 : index
      %swap3A_13 = tpu.vector_load %arg12[%swap3A_12] {strides = array<i32>} : memref<1024xi32, #tpu.memory_space<vmem>>, vector<16xi32>,
      %swap3A_14 = vector.shape_cast %swap3A_13 : vector<16xi32> to vector<16xi32>
      %swap3A_15 = vector.shape_cast %broadcast_in_dim3A_2 : vector<16xi32> to vector<16xi32>
      tpu.vector_store %arg12[%swap3A_12], %swap3A_15 {strides = array<i32>} : memref<1024xi32, #tpu.memory_space<vmem>>, vector<16xi32>,
      %swap3A_16 = arith.constant 48 : index
      %swap3A_17 = tpu.vector_load %arg12[%swap3A_16] {strides = array<i32>} : memref<1024xi32, #tpu.memory_space<vmem>>, vector<16xi32>,
      %swap3A_18 = vector.shape_cast %swap3A_17 : vector<16xi32> to vector<16xi32>
      %swap3A_19 = vector.shape_cast %broadcast_in_dim3A_2 : vector<16xi32> to vector<16xi32>
      tpu.vector_store %arg12[%swap3A_16], %swap3A_19 {strides = array<i32>} : memref<1024xi32, #tpu.memory_space<vmem>>, vector<16xi32>,
      %swap3A_20 = arith.constant 64 : index
      %swap3A_21 = tpu.vector_load %arg12[%swap3A_20] {strides = array<i32>} : memref<1024xi32, #tpu.memory_space<vmem>>, vector<16xi32>,
      %swap3A_22 = vector.shape_cast %swap3A_21 : vector<16xi32> to vector<16xi32>
      %swap3A_23 = vector.shape_cast %broadcast_in_dim3A_2 : vector<16xi32> to vector<16xi32>
      tpu.vector_store %arg12[%swap3A_20], %swap3A_23 {strides = array<i32>} : memref<1024xi32, #tpu.memory_space<vmem>>, vector<16xi32>,
      %swap3A_24 = arith.constant 80 : index
      %swap3A_25 = tpu.vector_load %arg12[%swap3A_24] {strides = array<i32>} : memref<1024xi32, #tpu.memory_space<vmem>>, vector<16xi32>,
      %swap3A_26 = vector.shape_cast %swap3A_25 : vector<16xi32> to vector<16xi32>
      %swap3A_27 = vector.shape_cast %broadcast_in_dim3A_2 : vector<16xi32> to vector<16xi32>
      tpu.vector_store %arg12[%swap3A_24], %swap3A_27 {strides = array<i32>} : memref<1024xi32, #tpu.memory_space<vmem>>, vector<16xi32>,
      %swap3A_28 = arith.constant 96 : index
      %swap3A_29 = tpu.vector_load %arg12[%swap3A_28] {strides = array<i32>} : memref<1024xi32, #tpu.memory_space<vmem>>, vector<16xi32>,
      %swap3A_30 = vector.shape_cast %swap3A_29 : vector<16xi32> to vector<16xi32>
      %swap3A_31 = vector.shape_cast %broadcast_in_dim3A_2 : vector<16xi32> to vector<16xi32>
      tpu.vector_store %arg12[%swap3A_28], %swap3A_31 {strides = array<i32>} : memref<1024xi32, #tpu.memory_space<vmem>>, vector<16xi32>,
      %swap3A_32 = arith.constant 112 : index
      %swap3A_33 = tpu.vector_load %arg12[%swap3A_32] {strides = array<i32>} : memref<1024xi32, #tpu.memory_space<vmem>>, vector<16xi32>,
      %swap3A_34 = vector.shape_cast %swap3A_33 : vector<16xi32> to vector<16xi32>
      %swap3A_35 = vector.shape_cast %broadcast_in_dim3A_2 : vector<16xi32> to vector<16xi32>
      tpu.vector_store %arg12[%swap3A_32], %swap3A_35 {strides = array<i32>} : memref<1024xi32, #tpu.memory_space<vmem>>, vector<16xi32>,
      %swap3A_36 = arith.constant 128 : index
      %swap3A_37 = tpu.vector_load %arg12[%swap3A_36] {strides = array<i32>} : memref<1024xi32, #tpu.memory_space<vmem>>, vector<16xi32>,
      %swap3A_38 = vector.shape_cast %swap3A_37 : vector<16xi32> to vector<16xi32>
      %swap3A_39 = vector.shape_cast %broadcast_in_dim3A_2 : vector<16xi32> to vector<16xi32>
      tpu.vector_store %arg12[%swap3A_36], %swap3A_39 {strides = array<i32>} : memref<1024xi32, #tpu.memory_space<vmem>>, vector<16xi32>,
      %swap3A_40 = arith.constant 144 : index
      %swap3A_41 = tpu.vector_load %arg12[%swap3A_40] {strides = array<i32>} : memref<1024xi32, #tpu.memory_space<vmem>>, vector<16xi32>,
      %swap3A_42 = vector.shape_cast %swap3A_41 : vector<16xi32> to vector<16xi32>
      %swap3A_43 = vector.shape_cast %broadcast_in_dim3A_2 : vector<16xi32> to vector<16xi32>
      tpu.vector_store %arg12[%swap3A_40], %swap3A_43 {strides = array<i32>} : memref<1024xi32, #tpu.memory_space<vmem>>, vector<16xi32>,
      %swap3A_44 = arith.constant 160 : index
      %swap3A_45 = tpu.vector_load %arg12[%swap3A_44] {strides = array<i32>} : memref<1024xi32, #tpu.memory_space<vmem>>, vector<16xi32>,
      %swap3A_46 = vector.shape_cast %swap3A_45 : vector<16xi32> to vector<16xi32>
      %swap3A_47 = vector.shape_cast %broadcast_in_dim3A_2 : vector<16xi32> to vector<16xi32>
      tpu.vector_store %arg12[%swap3A_44], %swap3A_47 {strides = array<i32>} : memref<1024xi32, #tpu.memory_space<vmem>>, vector<16xi32>,
      %swap3A_48 = arith.constant 176 : index
      %swap3A_49 = tpu.vector_load %arg12[%swap3A_48] {strides = array<i32>} : memref<1024xi32, #tpu.memory_space<vmem>>, vector<16xi32>,
      %swap3A_50 = vector.shape_cast %swap3A_49 : vector<16xi32> to vector<16xi32>
      %swap3A_51 = vector.shape_cast %broadcast_in_dim3A_2 : vector<16xi32> to vector<16xi32>
      tpu.vector_store %arg12[%swap3A_48], %swap3A_51 {strides = array<i32>} : memref<1024xi32, #tpu.memory_space<vmem>>, vector<16xi32>,
      %swap3A_52 = arith.constant 192 : index
      %swap3A_53 = tpu.vector_load %arg12[%swap3A_52] {strides = array<i32>} : memref<1024xi32, #tpu.memory_space<vmem>>, vector<16xi32>,
      %swap3A_54 = vector.shape_cast %swap3A_53 : vector<16xi32> to vector<16xi32>
      %swap3A_55 = vector.shape_cast %broadcast_in_dim3A_2 : vector<16xi32> to vector<16xi32>
      tpu.vector_store %arg12[%swap3A_52], %swap3A_55 {strides = array<i32>} : memref<1024xi32, #tpu.memory_space<vmem>>, vector<16xi32>,
      %swap3A_56 = arith.constant 208 : index
      %swap3A_57 = tpu.vector_load %arg12[%swap3A_56] {strides = array<i32>} : memref<1024xi32, #tpu.memory_space<vmem>>, vector<16xi32>,
      %swap3A_58 = vector.shape_cast %swap3A_57 : vector<16xi32> to vector<16xi32>
      %swap3A_59 = vector.shape_cast %broadcast_in_dim3A_2 : vector<16xi32> to vector<16xi32>
      tpu.vector_store %arg12[%swap3A_56], %swap3A_59 {strides = array<i32>} : memref<1024xi32, #tpu.memory_space<vmem>>, vector<16xi32>,
      %swap3A_60 = arith.constant 224 : index
      %swap3A_61 = tpu.vector_load %arg12[%swap3A_60] {strides = array<i32>} : memref<1024xi32, #tpu.memory_space<vmem>>, vector<16xi32>,
      %swap3A_62 = vector.shape_cast %swap3A_61 : vector<16xi32> to vector<16xi32>
      %swap3A_63 = vector.shape_cast %broadcast_in_dim3A_2 : vector<16xi32> to vector<16xi32>
      tpu.vector_store %arg12[%swap3A_60], %swap3A_63 {strides = array<i32>} : memref<1024xi32, #tpu.memory_space<vmem>>, vector<16xi32>,
      %swap3A_64 = arith.constant 240 : index
      %swap3A_65 = tpu.vector_load %arg12[%swap3A_64] {strides = array<i32>} : memref<1024xi32, #tpu.memory_space<vmem>>, vector<16xi32>,
      %swap3A_66 = vector.shape_cast %swap3A_65 : vector<16xi32> to vector<16xi32>
      %swap3A_67 = vector.shape_cast %broadcast_in_dim3A_2 : vector<16xi32> to vector<16xi32>
      tpu.vector_store %arg12[%swap3A_64], %swap3A_67 {strides = array<i32>} : memref<1024xi32, #tpu.memory_space<vmem>>, vector<16xi32>,
      %swap3A_68 = arith.constant 256 : index
      %swap3A_69 = tpu.vector_load %arg12[%swap3A_68] {strides = array<i32>} : memref<1024xi32, #tpu.memory_space<vmem>>, vector<16xi32>,
      %swap3A_70 = vector.shape_cast %swap3A_69 : vector<16xi32> to vector<16xi32>
      %swap3A_71 = vector.shape_cast %broadcast_in_dim3A_2 : vector<16xi32> to vector<16xi32>
      tpu.vector_store %arg12[%swap3A_68], %swap3A_71 {strides = array<i32>} : memref<1024xi32, #tpu.memory_space<vmem>>, vector<16xi32>,
      %swap3A_72 = arith.constant 272 : index
      %swap3A_73 = tpu.vector_load %arg12[%swap3A_72] {strides = array<i32>} : memref<1024xi32, #tpu.memory_space<vmem>>, vector<16xi32>,
      %swap3A_74 = vector.shape_cast %swap3A_73 : vector<16xi32> to vector<16xi32>
      %swap3A_75 = vector.shape_cast %broadcast_in_dim3A_2 : vector<16xi32> to vector<16xi32>
      tpu.vector_store %arg12[%swap3A_72], %swap3A_75 {strides = array<i32>} : memref<1024xi32, #tpu.memory_space<vmem>>, vector<16xi32>,
      %swap3A_76 = arith.constant 288 : index
      %swap3A_77 = tpu.vector_load %arg12[%swap3A_76] {strides = array<i32>} : memref<1024xi32, #tpu.memory_space<vmem>>, vector<16xi32>,
      %swap3A_78 = vector.shape_cast %swap3A_77 : vector<16xi32> to vector<16xi32>
      %swap3A_79 = vector.shape_cast %broadcast_in_dim3A_2 : vector<16xi32> to vector<16xi32>
      tpu.vector_store %arg12[%swap3A_76], %swap3A_79 {strides = array<i32>} : memref<1024xi32, #tpu.memory_space<vmem>>, vector<16xi32>,
      %swap3A_80 = arith.constant 304 : index
      %swap3A_81 = tpu.vector_load %arg12[%swap3A_80] {strides = array<i32>} : memref<1024xi32, #tpu.memory_space<vmem>>, vector<16xi32>,
      %swap3A_82 = vector.shape_cast %swap3A_81 : vector<16xi32> to vector<16xi32>
      %swap3A_83 = vector.shape_cast %broadcast_in_dim3A_2 : vector<16xi32> to vector<16xi32>
      tpu.vector_store %arg12[%swap3A_80], %swap3A_83 {strides = array<i32>} : memref<1024xi32, #tpu.memory_space<vmem>>, vector<16xi32>,
      %swap3A_84 = arith.constant 320 : index
      %swap3A_85 = tpu.vector_load %arg12[%swap3A_84] {strides = array<i32>} : memref<1024xi32, #tpu.memory_space<vmem>>, vector<16xi32>,
      %swap3A_86 = vector.shape_cast %swap3A_85 : vector<16xi32> to vector<16xi32>
      %swap3A_87 = vector.shape_cast %broadcast_in_dim3A_2 : vector<16xi32> to vector<16xi32>
      tpu.vector_store %arg12[%swap3A_84], %swap3A_87 {strides = array<i32>} : memref<1024xi32, #tpu.memory_space<vmem>>, vector<16xi32>,
      %swap3A_88 = arith.constant 336 : index
      %swap3A_89 = tpu.vector_load %arg12[%swap3A_88] {strides = array<i32>} : memref<1024xi32, #tpu.memory_space<vmem>>, vector<16xi32>,
      %swap3A_90 = vector.shape_cast %swap3A_89 : vector<16xi32> to vector<16xi32>
      %swap3A_91 = vector.shape_cast %broadcast_in_dim3A_2 : vector<16xi32> to vector<16xi32>
      tpu.vector_store %arg12[%swap3A_88], %swap3A_91 {strides = array<i32>} : memref<1024xi32, #tpu.memory_space<vmem>>, vector<16xi32>,
      %swap3A_92 = arith.constant 352 : index
      %swap3A_93 = tpu.vector_load %arg12[%swap3A_92] {strides = array<i32>} : memref<1024xi32, #tpu.memory_space<vmem>>, vector<16xi32>,
      %swap3A_94 = vector.shape_cast %swap3A_93 : vector<16xi32> to vector<16xi32>
      %swap3A_95 = vector.shape_cast %broadcast_in_dim3A_2 : vector<16xi32> to vector<16xi32>
      tpu.vector_store %arg12[%swap3A_92], %swap3A_95 {strides = array<i32>} : memref<1024xi32, #tpu.memory_space<vmem>>, vector<16xi32>,
      %swap3A_96 = arith.constant 368 : index
      %swap3A_97 = tpu.vector_load %arg12[%swap3A_96] {strides = array<i32>} : memref<1024xi32, #tpu.memory_space<vmem>>, vector<16xi32>,
      %swap3A_98 = vector.shape_cast %swap3A_97 : vector<16xi32> to vector<16xi32>
      %swap3A_99 = vector.shape_cast %broadcast_in_dim3A_2 : vector<16xi32> to vector<16xi32>
      tpu.vector_store %arg12[%swap3A_96], %swap3A_99 {strides = array<i32>} : memref<1024xi32, #tpu.memory_space<vmem>>, vector<16xi32>,
      %swap3A_100 = arith.constant 384 : index
      %swap3A_101 = tpu.vector_load %arg12[%swap3A_100] {strides = array<i32>} : memref<1024xi32, #tpu.memory_space<vmem>>, vector<16xi32>,
      %swap3A_102 = vector.shape_cast %swap3A_101 : vector<16xi32> to vector<16xi32>
      %swap3A_103 = vector.shape_cast %broadcast_in_dim3A_2 : vector<16xi32> to vector<16xi32>
      tpu.vector_store %arg12[%swap3A_100], %swap3A_103 {strides = array<i32>} : memref<1024xi32, #tpu.memory_space<vmem>>, vector<16xi32>,
      %swap3A_104 = arith.constant 400 : index
      %swap3A_105 = tpu.vector_load %arg12[%swap3A_104] {strides = array<i32>} : memref<1024xi32, #tpu.memory_space<vmem>>, vector<16xi32>,
      %swap3A_106 = vector.shape_cast %swap3A_105 : vector<16xi32> to vector<16xi32>
      %swap3A_107 = vector.shape_cast %broadcast_in_dim3A_2 : vector<16xi32> to vector<16xi32>
      tpu.vector_store %arg12[%swap3A_104], %swap3A_107 {strides = array<i32>} : memref<1024xi32, #tpu.memory_space<vmem>>, vector<16xi32>,
      %swap3A_108 = arith.constant 416 : index
      %swap3A_109 = tpu.vector_load %arg12[%swap3A_108] {strides = array<i32>} : memref<1024xi32, #tpu.memory_space<vmem>>, vector<16xi32>,
      %swap3A_110 = vector.shape_cast %swap3A_109 : vector<16xi32> to vector<16xi32>
      %swap3A_111 = vector.shape_cast %broadcast_in_dim3A_2 : vector<16xi32> to vector<16xi32>
      tpu.vector_store %arg12[%swap3A_108], %swap3A_111 {strides = array<i32>} : memref<1024xi32, #tpu.memory_space<vmem>>, vector<16xi32>,
      %swap3A_112 = arith.constant 432 : index
      %swap3A_113 = tpu.vector_load %arg12[%swap3A_112] {strides = array<i32>} : memref<1024xi32, #tpu.memory_space<vmem>>, vector<16xi32>,
      %swap3A_114 = vector.shape_cast %swap3A_113 : vector<16xi32> to vector<16xi32>
      %swap3A_115 = vector.shape_cast %broadcast_in_dim3A_2 : vector<16xi32> to vector<16xi32>
      tpu.vector_store %arg12[%swap3A_112], %swap3A_115 {strides = array<i32>} : memref<1024xi32, #tpu.memory_space<vmem>>, vector<16xi32>,
      %swap3A_116 = arith.constant 448 : index
      %swap3A_117 = tpu.vector_load %arg12[%swap3A_116] {strides = array<i32>} : memref<1024xi32, #tpu.memory_space<vmem>>, vector<16xi32>,
      %swap3A_118 = vector.shape_cast %swap3A_117 : vector<16xi32> to vector<16xi32>
      %swap3A_119 = vector.shape_cast %broadcast_in_dim3A_2 : vector<16xi32> to vector<16xi32>
      tpu.vector_store %arg12[%swap3A_116], %swap3A_119 {strides = array<i32>} : memref<1024xi32, #tpu.memory_space<vmem>>, vector<16xi32>,
      %swap3A_120 = arith.constant 464 : index
      %swap3A_121 = tpu.vector_load %arg12[%swap3A_120] {strides = array<i32>} : memref<1024xi32, #tpu.memory_space<vmem>>, vector<16xi32>,
      %swap3A_122 = vector.shape_cast %swap3A_121 : vector<16xi32> to vector<16xi32>
      %swap3A_123 = vector.shape_cast %broadcast_in_dim3A_2 : vector<16xi32> to vector<16xi32>
      tpu.vector_store %arg12[%swap3A_120], %swap3A_123 {strides = array<i32>} : memref<1024xi32, #tpu.memory_space<vmem>>, vector<16xi32>,
      %swap3A_124 = arith.constant 480 : index
      %swap3A_125 = tpu.vector_load %arg12[%swap3A_124] {strides = array<i32>} : memref<1024xi32, #tpu.memory_space<vmem>>, vector<16xi32>,
      %swap3A_126 = vector.shape_cast %swap3A_125 : vector<16xi32> to vector<16xi32>
      %swap3A_127 = vector.shape_cast %broadcast_in_dim3A_2 : vector<16xi32> to vector<16xi32>
      tpu.vector_store %arg12[%swap3A_124], %swap3A_127 {strides = array<i32>} : memref<1024xi32, #tpu.memory_space<vmem>>, vector<16xi32>,
      %swap3A_128 = arith.constant 496 : index
      %swap3A_129 = tpu.vector_load %arg12[%swap3A_128] {strides = array<i32>} : memref<1024xi32, #tpu.memory_space<vmem>>, vector<16xi32>,
      %swap3A_130 = vector.shape_cast %swap3A_129 : vector<16xi32> to vector<16xi32>
      %swap3A_131 = vector.shape_cast %broadcast_in_dim3A_2 : vector<16xi32> to vector<16xi32>
      tpu.vector_store %arg12[%swap3A_128], %swap3A_131 {strides = array<i32>} : memref<1024xi32, #tpu.memory_space<vmem>>, vector<16xi32>,
      %swap3A_132 = arith.constant 512 : index
      %swap3A_133 = tpu.vector_load %arg12[%swap3A_132] {strides = array<i32>} : memref<1024xi32, #tpu.memory_space<vmem>>, vector<16xi32>,
      %swap3A_134 = vector.shape_cast %swap3A_133 : vector<16xi32> to vector<16xi32>
      %swap3A_135 = vector.shape_cast %broadcast_in_dim3A_2 : vector<16xi32> to vector<16xi32>
      tpu.vector_store %arg12[%swap3A_132], %swap3A_135 {strides = array<i32>} : memref<1024xi32, #tpu.memory_space<vmem>>, vector<16xi32>,
      %swap3A_136 = arith.constant 528 : index
      %swap3A_137 = tpu.vector_load %arg12[%swap3A_136] {strides = array<i32>} : memref<1024xi32, #tpu.memory_space<vmem>>, vector<16xi32>,
      %swap3A_138 = vector.shape_cast %swap3A_137 : vector<16xi32> to vector<16xi32>
      %swap3A_139 = vector.shape_cast %broadcast_in_dim3A_2 : vector<16xi32> to vector<16xi32>
      tpu.vector_store %arg12[%swap3A_136], %swap3A_139 {strides = array<i32>} : memref<1024xi32, #tpu.memory_space<vmem>>, vector<16xi32>,
      %swap3A_140 = arith.constant 544 : index
      %swap3A_141 = tpu.vector_load %arg12[%swap3A_140] {strides = array<i32>} : memref<1024xi32, #tpu.memory_space<vmem>>, vector<16xi32>,
      %swap3A_142 = vector.shape_cast %swap3A_141 : vector<16xi32> to vector<16xi32>
      %swap3A_143 = vector.shape_cast %broadcast_in_dim3A_2 : vector<16xi32> to vector<16xi32>
      tpu.vector_store %arg12[%swap3A_140], %swap3A_143 {strides = array<i32>} : memref<1024xi32, #tpu.memory_space<vmem>>, vector<16xi32>,
      %swap3A_144 = arith.constant 560 : index
      %swap3A_145 = tpu.vector_load %arg12[%swap3A_144] {strides = array<i32>} : memref<1024xi32, #tpu.memory_space<vmem>>, vector<16xi32>,
      %swap3A_146 = vector.shape_cast %swap3A_145 : vector<16xi32> to vector<16xi32>
      %swap3A_147 = vector.shape_cast %broadcast_in_dim3A_2 : vector<16xi32> to vector<16xi32>
      tpu.vector_store %arg12[%swap3A_144], %swap3A_147 {strides = array<i32>} : memref<1024xi32, #tpu.memory_space<vmem>>, vector<16xi32>,
      %swap3A_148 = arith.constant 576 : index
      %swap3A_149 = tpu.vector_load %arg12[%swap3A_148] {strides = array<i32>} : memref<1024xi32, #tpu.memory_space<vmem>>, vector<16xi32>,
      %swap3A_150 = vector.shape_cast %swap3A_149 : vector<16xi32> to vector<16xi32>
      %swap3A_151 = vector.shape_cast %broadcast_in_dim3A_2 : vector<16xi32> to vector<16xi32>
      tpu.vector_store %arg12[%swap3A_148], %swap3A_151 {strides = array<i32>} : memref<1024xi32, #tpu.memory_space<vmem>>, vector<16xi32>,
      %swap3A_152 = arith.constant 592 : index
      %swap3A_153 = tpu.vector_load %arg12[%swap3A_152] {strides = array<i32>} : memref<1024xi32, #tpu.memory_space<vmem>>, vector<16xi32>,
      %swap3A_154 = vector.shape_cast %swap3A_153 : vector<16xi32> to vector<16xi32>
      %swap3A_155 = vector.shape_cast %broadcast_in_dim3A_2 : vector<16xi32> to vector<16xi32>
      tpu.vector_store %arg12[%swap3A_152], %swap3A_155 {strides = array<i32>} : memref<1024xi32, #tpu.memory_space<vmem>>, vector<16xi32>,
      %swap3A_156 = arith.constant 608 : index
      %swap3A_157 = tpu.vector_load %arg12[%swap3A_156] {strides = array<i32>} : memref<1024xi32, #tpu.memory_space<vmem>>, vector<16xi32>,
      %swap3A_158 = vector.shape_cast %swap3A_157 : vector<16xi32> to vector<16xi32>
      %swap3A_159 = vector.shape_cast %broadcast_in_dim3A_2 : vector<16xi32> to vector<16xi32>
      tpu.vector_store %arg12[%swap3A_156], %swap3A_159 {strides = array<i32>} : memref<1024xi32, #tpu.memory_space<vmem>>, vector<16xi32>,
      %swap3A_160 = arith.constant 624 : index
      %swap3A_161 = tpu.vector_load %arg12[%swap3A_160] {strides = array<i32>} : memref<1024xi32, #tpu.memory_space<vmem>>, vector<16xi32>,
      %swap3A_162 = vector.shape_cast %swap3A_161 : vector<16xi32> to vector<16xi32>
      %swap3A_163 = vector.shape_cast %broadcast_in_dim3A_2 : vector<16xi32> to vector<16xi32>
      tpu.vector_store %arg12[%swap3A_160], %swap3A_163 {strides = array<i32>} : memref<1024xi32, #tpu.memory_space<vmem>>, vector<16xi32>,
      %swap3A_164 = arith.constant 640 : index
      %swap3A_165 = tpu.vector_load %arg12[%swap3A_164] {strides = array<i32>} : memref<1024xi32, #tpu.memory_space<vmem>>, vector<16xi32>,
      %swap3A_166 = vector.shape_cast %swap3A_165 : vector<16xi32> to vector<16xi32>
      %swap3A_167 = vector.shape_cast %broadcast_in_dim3A_2 : vector<16xi32> to vector<16xi32>
      tpu.vector_store %arg12[%swap3A_164], %swap3A_167 {strides = array<i32>} : memref<1024xi32, #tpu.memory_space<vmem>>, vector<16xi32>,
      %swap3A_168 = arith.constant 656 : index
      %swap3A_169 = tpu.vector_load %arg12[%swap3A_168] {strides = array<i32>} : memref<1024xi32, #tpu.memory_space<vmem>>, vector<16xi32>,
      %swap3A_170 = vector.shape_cast %swap3A_169 : vector<16xi32> to vector<16xi32>
      %swap3A_171 = vector.shape_cast %broadcast_in_dim3A_2 : vector<16xi32> to vector<16xi32>
      tpu.vector_store %arg12[%swap3A_168], %swap3A_171 {strides = array<i32>} : memref<1024xi32, #tpu.memory_space<vmem>>, vector<16xi32>,
      %swap3A_172 = arith.constant 672 : index
      %swap3A_173 = tpu.vector_load %arg12[%swap3A_172] {strides = array<i32>} : memref<1024xi32, #tpu.memory_space<vmem>>, vector<16xi32>,
      %swap3A_174 = vector.shape_cast %swap3A_173 : vector<16xi32> to vector<16xi32>
      %swap3A_175 = vector.shape_cast %broadcast_in_dim3A_2 : vector<16xi32> to vector<16xi32>
      tpu.vector_store %arg12[%swap3A_172], %swap3A_175 {strides = array<i32>} : memref<1024xi32, #tpu.memory_space<vmem>>, vector<16xi32>,
      %swap3A_176 = arith.constant 688 : index
      %swap3A_177 = tpu.vector_load %arg12[%swap3A_176] {strides = array<i32>} : memref<1024xi32, #tpu.memory_space<vmem>>, vector<16xi32>,
      %swap3A_178 = vector.shape_cast %swap3A_177 : vector<16xi32> to vector<16xi32>
      %swap3A_179 = vector.shape_cast %broadcast_in_dim3A_2 : vector<16xi32> to vector<16xi32>
      tpu.vector_store %arg12[%swap3A_176], %swap3A_179 {strides = array<i32>} : memref<1024xi32, #tpu.memory_space<vmem>>, vector<16xi32>,
      %swap3A_180 = arith.constant 704 : index
      %swap3A_181 = tpu.vector_load %arg12[%swap3A_180] {strides = array<i32>} : memref<1024xi32, #tpu.memory_space<vmem>>, vector<16xi32>,
      %swap3A_182 = vector.shape_cast %swap3A_181 : vector<16xi32> to vector<16xi32>
      %swap3A_183 = vector.shape_cast %broadcast_in_dim3A_2 : vector<16xi32> to vector<16xi32>
      tpu.vector_store %arg12[%swap3A_180], %swap3A_183 {strides = array<i32>} : memref<1024xi32, #tpu.memory_space<vmem>>, vector<16xi32>,
      %swap3A_184 = arith.constant 720 : index
      %swap3A_185 = tpu.vector_load %arg12[%swap3A_184] {strides = array<i32>} : memref<1024xi32, #tpu.memory_space<vmem>>, vector<16xi32>,
      %swap3A_186 = vector.shape_cast %swap3A_185 : vector<16xi32> to vector<16xi32>
      %swap3A_187 = vector.shape_cast %broadcast_in_dim3A_2 : vector<16xi32> to vector<16xi32>
      tpu.vector_store %arg12[%swap3A_184], %swap3A_187 {strides = array<i32>} : memref<1024xi32, #tpu.memory_space<vmem>>, vector<16xi32>,
      %swap3A_188 = arith.constant 736 : index
      %swap3A_189 = tpu.vector_load %arg12[%swap3A_188] {strides = array<i32>} : memref<1024xi32, #tpu.memory_space<vmem>>, vector<16xi32>,
      %swap3A_190 = vector.shape_cast %swap3A_189 : vector<16xi32> to vector<16xi32>
      %swap3A_191 = vector.shape_cast %broadcast_in_dim3A_2 : vector<16xi32> to vector<16xi32>
      tpu.vector_store %arg12[%swap3A_188], %swap3A_191 {strides = array<i32>} : memref<1024xi32, #tpu.memory_space<vmem>>, vector<16xi32>,
      %swap3A_192 = arith.constant 752 : index
      %swap3A_193 = tpu.vector_load %arg12[%swap3A_192] {strides = array<i32>} : memref<1024xi32, #tpu.memory_space<vmem>>, vector<16xi32>,
      %swap3A_194 = vector.shape_cast %swap3A_193 : vector<16xi32> to vector<16xi32>
      %swap3A_195 = vector.shape_cast %broadcast_in_dim3A_2 : vector<16xi32> to vector<16xi32>
      tpu.vector_store %arg12[%swap3A_192], %swap3A_195 {strides = array<i32>} : memref<1024xi32, #tpu.memory_space<vmem>>, vector<16xi32>,
      %swap3A_196 = arith.constant 768 : index
      %swap3A_197 = tpu.vector_load %arg12[%swap3A_196] {strides = array<i32>} : memref<1024xi32, #tpu.memory_space<vmem>>, vector<16xi32>,
      %swap3A_198 = vector.shape_cast %swap3A_197 : vector<16xi32> to vector<16xi32>
      %swap3A_199 = vector.shape_cast %broadcast_in_dim3A_2 : vector<16xi32> to vector<16xi32>
      tpu.vector_store %arg12[%swap3A_196], %swap3A_199 {strides = array<i32>} : memref<1024xi32, #tpu.memory_space<vmem>>, vector<16xi32>,
      %swap3A_200 = arith.constant 784 : index
      %swap3A_201 = tpu.vector_load %arg12[%swap3A_200] {strides = array<i32>} : memref<1024xi32, #tpu.memory_space<vmem>>, vector<16xi32>,
      %swap3A_202 = vector.shape_cast %swap3A_201 : vector<16xi32> to vector<16xi32>
      %swap3A_203 = vector.shape_cast %broadcast_in_dim3A_2 : vector<16xi32> to vector<16xi32>
      tpu.vector_store %arg12[%swap3A_200], %swap3A_203 {strides = array<i32>} : memref<1024xi32, #tpu.memory_space<vmem>>, vector<16xi32>,
      %swap3A_204 = arith.constant 800 : index
      %swap3A_205 = tpu.vector_load %arg12[%swap3A_204] {strides = array<i32>} : memref<1024xi32, #tpu.memory_space<vmem>>, vector<16xi32>,
      %swap3A_206 = vector.shape_cast %swap3A_205 : vector<16xi32> to vector<16xi32>
      %swap3A_207 = vector.shape_cast %broadcast_in_dim3A_2 : vector<16xi32> to vector<16xi32>
      tpu.vector_store %arg12[%swap3A_204], %swap3A_207 {strides = array<i32>} : memref<1024xi32, #tpu.memory_space<vmem>>, vector<16xi32>,
      %swap3A_208 = arith.constant 816 : index
      %swap3A_209 = tpu.vector_load %arg12[%swap3A_208] {strides = array<i32>} : memref<1024xi32, #tpu.memory_space<vmem>>, vector<16xi32>,
      %swap3A_210 = vector.shape_cast %swap3A_209 : vector<16xi32> to vector<16xi32>
      %swap3A_211 = vector.shape_cast %broadcast_in_dim3A_2 : vector<16xi32> to vector<16xi32>
      tpu.vector_store %arg12[%swap3A_208], %swap3A_211 {strides = array<i32>} : memref<1024xi32, #tpu.memory_space<vmem>>, vector<16xi32>,
      %swap3A_212 = arith.constant 832 : index
      %swap3A_213 = tpu.vector_load %arg12[%swap3A_212] {strides = array<i32>} : memref<1024xi32, #tpu.memory_space<vmem>>, vector<16xi32>,
      %swap3A_214 = vector.shape_cast %swap3A_213 : vector<16xi32> to vector<16xi32>
      %swap3A_215 = vector.shape_cast %broadcast_in_dim3A_2 : vector<16xi32> to vector<16xi32>
      tpu.vector_store %arg12[%swap3A_212], %swap3A_215 {strides = array<i32>} : memref<1024xi32, #tpu.memory_space<vmem>>, vector<16xi32>,
      %swap3A_216 = arith.constant 848 : index
      %swap3A_217 = tpu.vector_load %arg12[%swap3A_216] {strides = array<i32>} : memref<1024xi32, #tpu.memory_space<vmem>>, vector<16xi32>,
      %swap3A_218 = vector.shape_cast %swap3A_217 : vector<16xi32> to vector<16xi32>
      %swap3A_219 = vector.shape_cast %broadcast_in_dim3A_2 : vector<16xi32> to vector<16xi32>
      tpu.vector_store %arg12[%swap3A_216], %swap3A_219 {strides = array<i32>} : memref<1024xi32, #tpu.memory_space<vmem>>, vector<16xi32>,
      %swap3A_220 = arith.constant 864 : index
      %swap3A_221 = tpu.vector_load %arg12[%swap3A_220] {strides = array<i32>} : memref<1024xi32, #tpu.memory_space<vmem>>, vector<16xi32>,
      %swap3A_222 = vector.shape_cast %swap3A_221 : vector<16xi32> to vector<16xi32>
      %swap3A_223 = vector.shape_cast %broadcast_in_dim3A_2 : vector<16xi32> to vector<16xi32>
      tpu.vector_store %arg12[%swap3A_220], %swap3A_223 {strides = array<i32>} : memref<1024xi32, #tpu.memory_space<vmem>>, vector<16xi32>,
      %swap3A_224 = arith.constant 880 : index
      %swap3A_225 = tpu.vector_load %arg12[%swap3A_224] {strides = array<i32>} : memref<1024xi32, #tpu.memory_space<vmem>>, vector<16xi32>,
      %swap3A_226 = vector.shape_cast %swap3A_225 : vector<16xi32> to vector<16xi32>
      %swap3A_227 = vector.shape_cast %broadcast_in_dim3A_2 : vector<16xi32> to vector<16xi32>
      tpu.vector_store %arg12[%swap3A_224], %swap3A_227 {strides = array<i32>} : memref<1024xi32, #tpu.memory_space<vmem>>, vector<16xi32>,
      %swap3A_228 = arith.constant 896 : index
      %swap3A_229 = tpu.vector_load %arg12[%swap3A_228] {strides = array<i32>} : memref<1024xi32, #tpu.memory_space<vmem>>, vector<16xi32>,
      %swap3A_230 = vector.shape_cast %swap3A_229 : vector<16xi32> to vector<16xi32>
      %swap3A_231 = vector.shape_cast %broadcast_in_dim3A_2 : vector<16xi32> to vector<16xi32>
      tpu.vector_store %arg12[%swap3A_228], %swap3A_231 {strides = array<i32>} : memref<1024xi32, #tpu.memory_space<vmem>>, vector<16xi32>,
      %swap3A_232 = arith.constant 912 : index
      %swap3A_233 = tpu.vector_load %arg12[%swap3A_232] {strides = array<i32>} : memref<1024xi32, #tpu.memory_space<vmem>>, vector<16xi32>,
      %swap3A_234 = vector.shape_cast %swap3A_233 : vector<16xi32> to vector<16xi32>
      %swap3A_235 = vector.shape_cast %broadcast_in_dim3A_2 : vector<16xi32> to vector<16xi32>
      tpu.vector_store %arg12[%swap3A_232], %swap3A_235 {strides = array<i32>} : memref<1024xi32, #tpu.memory_space<vmem>>, vector<16xi32>,
      %swap3A_236 = arith.constant 928 : index
      %swap3A_237 = tpu.vector_load %arg12[%swap3A_236] {strides = array<i32>} : memref<1024xi32, #tpu.memory_space<vmem>>, vector<16xi32>,
      %swap3A_238 = vector.shape_cast %swap3A_237 : vector<16xi32> to vector<16xi32>
      %swap3A_239 = vector.shape_cast %broadcast_in_dim3A_2 : vector<16xi32> to vector<16xi32>
      tpu.vector_store %arg12[%swap3A_236], %swap3A_239 {strides = array<i32>} : memref<1024xi32, #tpu.memory_space<vmem>>, vector<16xi32>,
      %swap3A_240 = arith.constant 944 : index
      %swap3A_241 = tpu.vector_load %arg12[%swap3A_240] {strides = array<i32>} : memref<1024xi32, #tpu.memory_space<vmem>>, vector<16xi32>,
      %swap3A_242 = vector.shape_cast %swap3A_241 : vector<16xi32> to vector<16xi32>
      %swap3A_243 = vector.shape_cast %broadcast_in_dim3A_2 : vector<16xi32> to vector<16xi32>
      tpu.vector_store %arg12[%swap3A_240], %swap3A_243 {strides = array<i32>} : memref<1024xi32, #tpu.memory_space<vmem>>, vector<16xi32>,
      %swap3A_244 = arith.constant 960 : index
      %swap3A_245 = tpu.vector_load %arg12[%swap3A_244] {strides = array<i32>} : memref<1024xi32, #tpu.memory_space<vmem>>, vector<16xi32>,
      %swap3A_246 = vector.shape_cast %swap3A_245 : vector<16xi32> to vector<16xi32>
      %swap3A_247 = vector.shape_cast %broadcast_in_dim3A_2 : vector<16xi32> to vector<16xi32>
      tpu.vector_store %arg12[%swap3A_244], %swap3A_247 {strides = array<i32>} : memref<1024xi32, #tpu.memory_space<vmem>>, vector<16xi32>,
      %swap3A_248 = arith.constant 976 : index
      %swap3A_249 = tpu.vector_load %arg12[%swap3A_248] {strides = array<i32>} : memref<1024xi32, #tpu.memory_space<vmem>>, vector<16xi32>,
      %swap3A_250 = vector.shape_cast %swap3A_249 : vector<16xi32> to vector<16xi32>
      %swap3A_251 = vector.shape_cast %broadcast_in_dim3A_2 : vector<16xi32> to vector<16xi32>
      tpu.vector_store %arg12[%swap3A_248], %swap3A_251 {strides = array<i32>} : memref<1024xi32, #tpu.memory_space<vmem>>, vector<16xi32>,
      %swap3A_252 = arith.constant 992 : index
      %swap3A_253 = tpu.vector_load %arg12[%swap3A_252] {strides = array<i32>} : memref<1024xi32, #tpu.memory_space<vmem>>, vector<16xi32>,
      %swap3A_254 = vector.shape_cast %swap3A_253 : vector<16xi32> to vector<16xi32>
      %swap3A_255 = vector.shape_cast %broadcast_in_dim3A_2 : vector<16xi32> to vector<16xi32>
      tpu.vector_store %arg12[%swap3A_252], %swap3A_255 {strides = array<i32>} : memref<1024xi32, #tpu.memory_space<vmem>>, vector<16xi32>,
      %swap3A_256 = arith.constant 1008 : index
      %swap3A_257 = tpu.vector_load %arg12[%swap3A_256] {strides = array<i32>} : memref<1024xi32, #tpu.memory_space<vmem>>, vector<16xi32>,
      %swap3A_258 = vector.shape_cast %swap3A_257 : vector<16xi32> to vector<16xi32>
      %swap3A_259 = vector.shape_cast %broadcast_in_dim3A_2 : vector<16xi32> to vector<16xi32>
      tpu.vector_store %arg12[%swap3A_256], %swap3A_259 {strides = array<i32>} : memref<1024xi32, #tpu.memory_space<vmem>>, vector<16xi32>,
      %eq3A_260 = arith.constant 0 : i32
      %eq3A_261 = arith.cmpi eq, %arg1, %eq3A_260 : i32
      %convert_element_type3A_262 = arith.extui %eq3A_261 : i1 to i32
      %cond3A_263 = arith.constant 0 : i32
      %cond3A_264 = arith.cmpi ne, %convert_element_type3A_262, %cond3A_263 : i32
      scf.if %cond3A_264 {
        "tpu.region"() ({
          %run_scoped3A = tpu.sem_alloc : memref<!tpu.dma_semaphore, #tpu.memory_space<semaphore_mem>>
          tpu.enqueue_dma source(%arg12 : memref<1024xi32, #tpu.memory_space<vmem>>) target(%arg16 : memref<1024xi32, #tpu.memory_space<vmem_shared>>) target_semaphore(%run_scoped3A : memref<!tpu.dma_semaphore, #tpu.memory_space<semaphore_mem>>)
          tpu.wait_dma2 semaphore(%run_scoped3A : memref<!tpu.dma_semaphore, #tpu.memory_space<semaphore_mem>>) src(%arg12 : memref<1024xi32, #tpu.memory_space<vmem>>) dst(%arg16 : memref<1024xi32, #tpu.memory_space<vmem_shared>>)
          tpu.yield
        }) : () -> ()
      } else {
      }
      "tpu.region"() ({
        %run_scoped3A = tpu.sem_alloc : memref<!tpu.dma_semaphore, #tpu.memory_space<semaphore_mem>>
        %dma_start3A_392 = arith.constant 0 : i32
        %dma_start3A_393 = tpu.memref_slice %arg2[%arg1, %dma_start3A_392] : memref<16x12800xi32, #tpu.memory_space<hbm>> -> memref<1x12800xi32, #tpu.memory_space<hbm>>
        %dma_start3A_394 = tpu.memref_squeeze %dma_start3A_393 : memref<1x12800xi32, #tpu.memory_space<hbm>> -> memref<12800xi32, #tpu.memory_space<hbm>>
        %dma_start3A_395 = arith.constant 0 : i32
        %dma_start3A_396 = tpu.memref_slice %arg2[%arg1, %dma_start3A_395] : memref<16x12800xi32, #tpu.memory_space<hbm>> -> memref<1x12800xi32, #tpu.memory_space<hbm>>
        %dma_start3A_397 = tpu.memref_squeeze %dma_start3A_396 : memref<1x12800xi32, #tpu.memory_space<hbm>> -> memref<12800xi32, #tpu.memory_space<hbm>>
        tpu.enqueue_dma source(%dma_start3A_397 : memref<12800xi32, #tpu.memory_space<hbm>>) target(%arg7 : memref<12800xi32, #tpu.memory_space<vmem>>) target_semaphore(%run_scoped3A : memref<!tpu.dma_semaphore, #tpu.memory_space<semaphore_mem>>)
        %dma_wait3A_398 = arith.constant 0 : i32
        %dma_wait3A_399 = tpu.memref_slice %arg2[%arg1, %dma_wait3A_398] : memref<16x12800xi32, #tpu.memory_space<hbm>> -> memref<1x12800xi32, #tpu.memory_space<hbm>>
        %dma_wait3A_400 = tpu.memref_squeeze %dma_wait3A_399 : memref<1x12800xi32, #tpu.memory_space<hbm>> -> memref<12800xi32, #tpu.memory_space<hbm>>
        %dma_wait3A_401 = arith.constant 0 : i32
        %dma_wait3A_402 = tpu.memref_slice %arg2[%arg1, %dma_wait3A_401] : memref<16x12800xi32, #tpu.memory_space<hbm>> -> memref<1x12800xi32, #tpu.memory_space<hbm>>
        %dma_wait3A_403 = tpu.memref_squeeze %dma_wait3A_402 : memref<1x12800xi32, #tpu.memory_space<hbm>> -> memref<12800xi32, #tpu.memory_space<hbm>>
        tpu.wait_dma2 semaphore(%run_scoped3A : memref<!tpu.dma_semaphore, #tpu.memory_space<semaphore_mem>>) src(%dma_wait3A_403 : memref<12800xi32, #tpu.memory_space<hbm>>) dst(%arg7 : memref<12800xi32, #tpu.memory_space<vmem>>)
        tpu.yield
      }) : () -> ()
      "tpu.region"() ({
        %run_scoped3A = tpu.sem_alloc : memref<!tpu.dma_semaphore, #tpu.memory_space<semaphore_mem>>
        %dma_start3A_392 = arith.constant 0 : i32
        %dma_start3A_393 = arith.constant 0 : i32
        %dma_start3A_394 = tpu.memref_slice %arg4[%arg1, %dma_start3A_392, %dma_start3A_393] : memref<16x4x16xi32, #tpu.memory_space<hbm>> -> memref<1x4x16xi32, #tpu.memory_space<hbm>>
        %dma_start3A_395 = tpu.memref_squeeze %dma_start3A_394 : memref<1x4x16xi32, #tpu.memory_space<hbm>> -> memref<4x16xi32, #tpu.memory_space<hbm>>
        %dma_start3A_396 = arith.constant 0 : i32
        %dma_start3A_397 = arith.constant 0 : i32
        %dma_start3A_398 = tpu.memref_slice %arg4[%arg1, %dma_start3A_396, %dma_start3A_397] : memref<16x4x16xi32, #tpu.memory_space<hbm>> -> memref<1x4x16xi32, #tpu.memory_space<hbm>>
        %dma_start3A_399 = tpu.memref_squeeze %dma_start3A_398 : memref<1x4x16xi32, #tpu.memory_space<hbm>> -> memref<4x16xi32, #tpu.memory_space<hbm>>
        tpu.enqueue_dma source(%dma_start3A_399 : memref<4x16xi32, #tpu.memory_space<hbm>>) target(%arg8 : memref<4x16xi32, #tpu.memory_space<vmem>>) target_semaphore(%run_scoped3A : memref<!tpu.dma_semaphore, #tpu.memory_space<semaphore_mem>>)
        %dma_wait3A_400 = arith.constant 0 : i32
        %dma_wait3A_401 = arith.constant 0 : i32
        %dma_wait3A_402 = tpu.memref_slice %arg4[%arg1, %dma_wait3A_400, %dma_wait3A_401] : memref<16x4x16xi32, #tpu.memory_space<hbm>> -> memref<1x4x16xi32, #tpu.memory_space<hbm>>
        %dma_wait3A_403 = tpu.memref_squeeze %dma_wait3A_402 : memref<1x4x16xi32, #tpu.memory_space<hbm>> -> memref<4x16xi32, #tpu.memory_space<hbm>>
        %dma_wait3A_404 = arith.constant 0 : i32
        %dma_wait3A_405 = arith.constant 0 : i32
        %dma_wait3A_406 = tpu.memref_slice %arg4[%arg1, %dma_wait3A_404, %dma_wait3A_405] : memref<16x4x16xi32, #tpu.memory_space<hbm>> -> memref<1x4x16xi32, #tpu.memory_space<hbm>>
        %dma_wait3A_407 = tpu.memref_squeeze %dma_wait3A_406 : memref<1x4x16xi32, #tpu.memory_space<hbm>> -> memref<4x16xi32, #tpu.memory_space<hbm>>
        tpu.wait_dma2 semaphore(%run_scoped3A : memref<!tpu.dma_semaphore, #tpu.memory_space<semaphore_mem>>) src(%dma_wait3A_407 : memref<4x16xi32, #tpu.memory_space<hbm>>) dst(%arg8 : memref<4x16xi32, #tpu.memory_space<vmem>>)
        tpu.yield
      }) : () -> ()
      "tpu.region"() ({
        %run_scoped3A = tpu.sem_alloc : memref<!tpu.dma_semaphore, #tpu.memory_space<semaphore_mem>>
        %dma_start3A_392 = arith.constant 0 : i32
        %dma_start3A_393 = arith.constant 0 : i32
        %dma_start3A_394 = tpu.memref_slice %arg5[%dma_start3A_392, %dma_start3A_393] : memref<12x16xi32, #tpu.memory_space<hbm>> -> memref<8x16xi32, #tpu.memory_space<hbm>>
        %dma_start3A_395 = arith.constant 0 : i32
        %dma_start3A_396 = arith.constant 0 : i32
        %dma_start3A_397 = tpu.memref_slice %arg5[%dma_start3A_395, %dma_start3A_396] : memref<12x16xi32, #tpu.memory_space<hbm>> -> memref<8x16xi32, #tpu.memory_space<hbm>>
        tpu.enqueue_dma source(%dma_start3A_397 : memref<8x16xi32, #tpu.memory_space<hbm>>) target(%arg9 : memref<8x16xi32, #tpu.memory_space<vmem>>) target_semaphore(%run_scoped3A : memref<!tpu.dma_semaphore, #tpu.memory_space<semaphore_mem>>)
        %dma_wait3A_398 = arith.constant 0 : i32
        %dma_wait3A_399 = arith.constant 0 : i32
        %dma_wait3A_400 = tpu.memref_slice %arg5[%dma_wait3A_398, %dma_wait3A_399] : memref<12x16xi32, #tpu.memory_space<hbm>> -> memref<8x16xi32, #tpu.memory_space<hbm>>
        %dma_wait3A_401 = arith.constant 0 : i32
        %dma_wait3A_402 = arith.constant 0 : i32
        %dma_wait3A_403 = tpu.memref_slice %arg5[%dma_wait3A_401, %dma_wait3A_402] : memref<12x16xi32, #tpu.memory_space<hbm>> -> memref<8x16xi32, #tpu.memory_space<hbm>>
        tpu.wait_dma2 semaphore(%run_scoped3A : memref<!tpu.dma_semaphore, #tpu.memory_space<semaphore_mem>>) src(%dma_wait3A_403 : memref<8x16xi32, #tpu.memory_space<hbm>>) dst(%arg9 : memref<8x16xi32, #tpu.memory_space<vmem>>)
        tpu.yield
      }) : () -> ()
      %get3A = arith.constant 0 : i32
      %get3A_265 = arith.index_cast %get3A : i32 to index
      %get3A_266 = arith.constant 0 : index
      %get3A_267 = tpu.vector_load %arg8[%get3A_265, %get3A_266] {strides = array<i32>} : memref<4x16xi32, #tpu.memory_space<vmem>>, vector<1x16xi32>,
      %get3A_268 = vector.shape_cast %get3A_267 : vector<1x16xi32> to vector<16xi32>
      %get3A_269 = arith.constant 1 : i32
      %get3A_270 = arith.index_cast %get3A_269 : i32 to index
      %get3A_271 = arith.constant 0 : index
      %get3A_272 = tpu.vector_load %arg8[%get3A_270, %get3A_271] {strides = array<i32>} : memref<4x16xi32, #tpu.memory_space<vmem>>, vector<1x16xi32>,
      %get3A_273 = vector.shape_cast %get3A_272 : vector<1x16xi32> to vector<16xi32>
      %get3A_274 = arith.constant 2 : i32
      %get3A_275 = arith.index_cast %get3A_274 : i32 to index
      %get3A_276 = arith.constant 0 : index
      %get3A_277 = tpu.vector_load %arg8[%get3A_275, %get3A_276] {strides = array<i32>} : memref<4x16xi32, #tpu.memory_space<vmem>>, vector<1x16xi32>,
      %get3A_278 = vector.shape_cast %get3A_277 : vector<1x16xi32> to vector<16xi32>
      %get3A_279 = arith.constant 3 : i32
      %get3A_280 = arith.index_cast %get3A_279 : i32 to index
      %get3A_281 = arith.constant 0 : index
      %get3A_282 = tpu.vector_load %arg8[%get3A_280, %get3A_281] {strides = array<i32>} : memref<4x16xi32, #tpu.memory_space<vmem>>, vector<1x16xi32>,
      %get3A_283 = vector.shape_cast %get3A_282 : vector<1x16xi32> to vector<16xi32>
      %get3A_284 = arith.constant 4 : i32
      %get3A_285 = arith.index_cast %get3A_284 : i32 to index
      %get3A_286 = arith.constant 0 : index
      %get3A_287 = tpu.vector_load %arg9[%get3A_285, %get3A_286] {strides = array<i32>} : memref<8x16xi32, #tpu.memory_space<vmem>>, vector<1x16xi32>,
      %get3A_288 = vector.shape_cast %get3A_287 : vector<1x16xi32> to vector<16xi32>
      %add3A = arith.constant 1 : i32
      %add3A_289 = vector.broadcast %add3A : i32 to vector<16xi32>
      %add3A_290 = arith.addi %get3A_288, %add3A_289 : vector<16xi32>
      %get3A_291 = arith.constant 5 : i32
      %get3A_292 = arith.index_cast %get3A_291 : i32 to index
      %get3A_293 = arith.constant 0 : index
      %get3A_294 = tpu.vector_load %arg9[%get3A_292, %get3A_293] {strides = array<i32>} : memref<8x16xi32, #tpu.memory_space<vmem>>, vector<1x16xi32>,
      %get3A_295 = vector.shape_cast %get3A_294 : vector<1x16xi32> to vector<16xi32>
      %add3A_296 = arith.constant 257 : i32
      %add3A_297 = vector.broadcast %add3A_296 : i32 to vector<16xi32>
      %add3A_298 = arith.addi %get3A_295, %add3A_297 : vector<16xi32>
      %get3A_299 = arith.constant 6 : i32
      %get3A_300 = arith.index_cast %get3A_299 : i32 to index
      %get3A_301 = arith.constant 0 : index
      %get3A_302 = tpu.vector_load %arg9[%get3A_300, %get3A_301] {strides = array<i32>} : memref<8x16xi32, #tpu.memory_space<vmem>>, vector<1x16xi32>,
      %get3A_303 = vector.shape_cast %get3A_302 : vector<1x16xi32> to vector<16xi32>
      %add3A_304 = arith.constant 513 : i32
      %add3A_305 = vector.broadcast %add3A_304 : i32 to vector<16xi32>
      %add3A_306 = arith.addi %get3A_303, %add3A_305 : vector<16xi32>
      %get3A_307 = arith.constant 7 : i32
      %get3A_308 = arith.index_cast %get3A_307 : i32 to index
      %get3A_309 = arith.constant 0 : index
      %get3A_310 = tpu.vector_load %arg9[%get3A_308, %get3A_309] {strides = array<i32>} : memref<8x16xi32, #tpu.memory_space<vmem>>, vector<1x16xi32>,
      %get3A_311 = vector.shape_cast %get3A_310 : vector<1x16xi32> to vector<16xi32>
      %add3A_312 = arith.constant 769 : i32
      %add3A_313 = vector.broadcast %add3A_312 : i32 to vector<16xi32>
      %add3A_314 = arith.addi %get3A_311, %add3A_313 : vector<16xi32>
      %broadcast_in_dim3A_315 = arith.constant 0 : i32
      %broadcast_in_dim3A_316 = vector.broadcast %broadcast_in_dim3A_315 : i32 to vector<16xi32>
      %broadcast_in_dim3A_317 = arith.constant 256 : i32
      %broadcast_in_dim3A_318 = vector.broadcast %broadcast_in_dim3A_317 : i32 to vector<16xi32>
      %broadcast_in_dim3A_319 = arith.constant 512 : i32
      %broadcast_in_dim3A_320 = vector.broadcast %broadcast_in_dim3A_319 : i32 to vector<16xi32>
      %broadcast_in_dim3A_321 = arith.constant 768 : i32
      %broadcast_in_dim3A_322 = vector.broadcast %broadcast_in_dim3A_321 : i32 to vector<16xi32>
      %mul3A = arith.constant 16 : i32
      %mul3A_323 = arith.muli %arg1, %mul3A : i32
      %add3A_324 = vector.broadcast %mul3A_323 : i32 to vector<16xi32>
      %add3A_325 = arith.addi %add3A_324, %iota3A : vector<16xi32>
      %mul3A_326 = arith.constant 800 : i32
      %mul3A_327 = vector.broadcast %mul3A_326 : i32 to vector<16xi32>
      %mul3A_328 = arith.muli %add3A_325, %mul3A_327 : vector<16xi32>
      %add3A_329 = arith.constant 1 : i32
      %add3A_330 = vector.broadcast %add3A_329 : i32 to vector<16xi32>
      %add3A_331 = arith.addi %mul3A_328, %add3A_330 : vector<16xi32>
      %scan3A = arith.constant 0 : i32
      %scan3A_332 = arith.constant 400 : i32
      %scan3A_333 = arith.addi %scan3A, %scan3A_332 : i32
      %scan3A_334 = arith.constant 1 : i32
      %scan3A_335:4 = scf.for %scan3A_392 = %scan3A to %scan3A_333 step %scan3A_334 iter_args(%scan3A_393 = %get3A_268, %scan3A_394 = %get3A_273, %scan3A_395 = %get3A_278, %scan3A_396 = %get3A_283) -> (vector<16xi32>, vector<16xi32>, vector<16xi32>, vector<16xi32>)  : i32 {
        %mul3A_397 = arith.constant 2 : i32
        %mul3A_398 = arith.muli %scan3A_392, %mul3A_397 : i32
        %mul3A_399 = arith.constant 16 : i32
        %mul3A_400 = arith.muli %mul3A_398, %mul3A_399 : i32
        %get3A_401 = arith.index_cast %mul3A_400 : i32 to index
        %get3A_402 = tpu.vector_load %arg7[%get3A_401] {strides = array<i32>} : memref<12800xi32, #tpu.memory_space<vmem>>, vector<16xi32>,
        %get3A_403 = vector.shape_cast %get3A_402 : vector<16xi32> to vector<16xi32>
        %add3A_404 = vector.broadcast %mul3A_398 : i32 to vector<16xi32>
        %add3A_405 = arith.addi %add3A_331, %add3A_404 : vector<16xi32>
        %eq3A_406 = arith.constant 1 : i32
        %eq3A_407 = vector.broadcast %eq3A_406 : i32 to vector<16xi32>
        %eq3A_408 = arith.cmpi eq, %get3A_403, %eq3A_407 : vector<16xi32>
        %select_n3A = arith.select %eq3A_408, %broadcast_in_dim3A_4, %broadcast_in_dim3A_2 : vector<16xi1>, vector<16xi32>
        %add3A_409 = arith.addi %scan3A_393, %select_n3A : vector<16xi32>
        %add3A_410 = arith.addi %add3A_409, %add3A_290 : vector<16xi32>
        %mul3A_411 = arith.muli %select_n3A, %add3A_410 : vector<16xi32>
        %sub3A_412 = arith.subi %mul3A_411, %broadcast_in_dim3A_316 : vector<16xi32>
        %gt3A = arith.cmpi sgt, %sub3A_412, %broadcast_in_dim3A_2 : vector<16xi32>
        %select_n3A_413 = arith.select %gt3A, %broadcast_in_dim3A_4, %broadcast_in_dim3A_2 : vector<16xi1>, vector<16xi32>
        %sub3A_414 = arith.constant 1 : i32
        %sub3A_415 = vector.broadcast %sub3A_414 : i32 to vector<16xi32>
        %sub3A_416 = arith.subi %add3A_410, %sub3A_415 : vector<16xi32>
        %max3A_417 = arith.maxsi %sub3A_416, %broadcast_in_dim3A_316 : vector<16xi32>
        %mul3A_418 = arith.muli %select_n3A, %max3A_417 : vector<16xi32>
        %add3A_419 = arith.addi %broadcast_in_dim3A_2, %mul3A_418 : vector<16xi32>
        %add3A_420 = arith.addi %broadcast_in_dim3A_2, %select_n3A_413 : vector<16xi32>
        %eq3A_421 = arith.constant 2 : i32
        %eq3A_422 = vector.broadcast %eq3A_421 : i32 to vector<16xi32>
        %eq3A_423 = arith.cmpi eq, %get3A_403, %eq3A_422 : vector<16xi32>
        %select_n3A_424 = arith.select %eq3A_423, %broadcast_in_dim3A_4, %broadcast_in_dim3A_2 : vector<16xi1>, vector<16xi32>
        %add3A_425 = arith.addi %scan3A_394, %select_n3A_424 : vector<16xi32>
        %add3A_426 = arith.addi %add3A_425, %add3A_298 : vector<16xi32>
        %mul3A_427 = arith.muli %select_n3A_424, %add3A_426 : vector<16xi32>
        %sub3A_428 = arith.subi %mul3A_427, %broadcast_in_dim3A_318 : vector<16xi32>
        %gt3A_429 = arith.cmpi sgt, %sub3A_428, %broadcast_in_dim3A_2 : vector<16xi32>
        %select_n3A_430 = arith.select %gt3A_429, %broadcast_in_dim3A_4, %broadcast_in_dim3A_2 : vector<16xi1>, vector<16xi32>
        %sub3A_431 = arith.constant 1 : i32
        %sub3A_432 = vector.broadcast %sub3A_431 : i32 to vector<16xi32>
        %sub3A_433 = arith.subi %add3A_426, %sub3A_432 : vector<16xi32>
        %max3A_434 = arith.maxsi %sub3A_433, %broadcast_in_dim3A_318 : vector<16xi32>
        %mul3A_435 = arith.muli %select_n3A_424, %max3A_434 : vector<16xi32>
        %add3A_436 = arith.addi %add3A_419, %mul3A_435 : vector<16xi32>
        %add3A_437 = arith.addi %add3A_420, %select_n3A_430 : vector<16xi32>
        %eq3A_438 = arith.constant 3 : i32
        %eq3A_439 = vector.broadcast %eq3A_438 : i32 to vector<16xi32>
        %eq3A_440 = arith.cmpi eq, %get3A_403, %eq3A_439 : vector<16xi32>
        %select_n3A_441 = arith.select %eq3A_440, %broadcast_in_dim3A_4, %broadcast_in_dim3A_2 : vector<16xi1>, vector<16xi32>
        %add3A_442 = arith.addi %scan3A_395, %select_n3A_441 : vector<16xi32>
        %add3A_443 = arith.addi %add3A_442, %add3A_306 : vector<16xi32>
        %mul3A_444 = arith.muli %select_n3A_441, %add3A_443 : vector<16xi32>
        %sub3A_445 = arith.subi %mul3A_444, %broadcast_in_dim3A_320 : vector<16xi32>
        %gt3A_446 = arith.cmpi sgt, %sub3A_445, %broadcast_in_dim3A_2 : vector<16xi32>
        %select_n3A_447 = arith.select %gt3A_446, %broadcast_in_dim3A_4, %broadcast_in_dim3A_2 : vector<16xi1>, vector<16xi32>
        %sub3A_448 = arith.constant 1 : i32
        %sub3A_449 = vector.broadcast %sub3A_448 : i32 to vector<16xi32>
        %sub3A_450 = arith.subi %add3A_443, %sub3A_449 : vector<16xi32>
        %max3A_451 = arith.maxsi %sub3A_450, %broadcast_in_dim3A_320 : vector<16xi32>
        %mul3A_452 = arith.muli %select_n3A_441, %max3A_451 : vector<16xi32>
        %add3A_453 = arith.addi %add3A_436, %mul3A_452 : vector<16xi32>
        %add3A_454 = arith.addi %add3A_437, %select_n3A_447 : vector<16xi32>
        %eq3A_455 = arith.constant 4 : i32
        %eq3A_456 = vector.broadcast %eq3A_455 : i32 to vector<16xi32>
        %eq3A_457 = arith.cmpi eq, %get3A_403, %eq3A_456 : vector<16xi32>
        %select_n3A_458 = arith.select %eq3A_457, %broadcast_in_dim3A_4, %broadcast_in_dim3A_2 : vector<16xi1>, vector<16xi32>
        %add3A_459 = arith.addi %scan3A_396, %select_n3A_458 : vector<16xi32>
        %add3A_460 = arith.addi %add3A_459, %add3A_314 : vector<16xi32>
        %mul3A_461 = arith.muli %select_n3A_458, %add3A_460 : vector<16xi32>
        %sub3A_462 = arith.subi %mul3A_461, %broadcast_in_dim3A_322 : vector<16xi32>
        %gt3A_463 = arith.cmpi sgt, %sub3A_462, %broadcast_in_dim3A_2 : vector<16xi32>
        %select_n3A_464 = arith.select %gt3A_463, %broadcast_in_dim3A_4, %broadcast_in_dim3A_2 : vector<16xi1>, vector<16xi32>
        %sub3A_465 = arith.constant 1 : i32
        %sub3A_466 = vector.broadcast %sub3A_465 : i32 to vector<16xi32>
        %sub3A_467 = arith.subi %add3A_460, %sub3A_466 : vector<16xi32>
        %max3A_468 = arith.maxsi %sub3A_467, %broadcast_in_dim3A_322 : vector<16xi32>
        %mul3A_469 = arith.muli %select_n3A_458, %max3A_468 : vector<16xi32>
        %add3A_470 = arith.addi %add3A_453, %mul3A_469 : vector<16xi32>
        %add3A_471 = arith.addi %add3A_454, %select_n3A_464 : vector<16xi32>
        %mul3A_472 = arith.muli %add3A_471, %add3A_405 : vector<16xi32>
        %mul3A_473 = arith.constant 16 : i32
        %mul3A_474 = arith.muli %mul3A_398, %mul3A_473 : i32
        %swap3A_475 = arith.index_cast %mul3A_474 : i32 to index
        %swap3A_476 = tpu.vector_load %arg11[%swap3A_475] {strides = array<i32>} : memref<12800xi32, #tpu.memory_space<vmem>>, vector<16xi32>,
        %swap3A_477 = vector.shape_cast %swap3A_476 : vector<16xi32> to vector<16xi32>
        %swap3A_478 = vector.shape_cast %mul3A_472 : vector<16xi32> to vector<16xi32>
        tpu.vector_store %arg11[%swap3A_475], %swap3A_478 {strides = array<i32>} : memref<12800xi32, #tpu.memory_space<vmem>>, vector<16xi32>,
        %mul3A_479 = arith.constant 16 : i32
        %mul3A_480 = arith.muli %mul3A_398, %mul3A_479 : i32
        %swap3A_481 = arith.index_cast %mul3A_480 : i32 to index
        %swap3A_482 = tpu.vector_load %arg10[%swap3A_481] {strides = array<i32>} : memref<12800xi32, #tpu.memory_space<vmem>>, vector<16xi32>,
        %swap3A_483 = vector.shape_cast %swap3A_482 : vector<16xi32> to vector<16xi32>
        %swap3A_484 = vector.shape_cast %add3A_470 : vector<16xi32> to vector<16xi32>
        tpu.vector_store %arg10[%swap3A_481], %swap3A_484 {strides = array<i32>} : memref<12800xi32, #tpu.memory_space<vmem>>, vector<16xi32>,
        %mul3A_485 = arith.constant 2 : i32
        %mul3A_486 = arith.muli %scan3A_392, %mul3A_485 : i32
        %add3A_487 = arith.constant 1 : i32
        %add3A_488 = arith.addi %mul3A_486, %add3A_487 : i32
        %mul3A_489 = arith.constant 16 : i32
        %mul3A_490 = arith.muli %add3A_488, %mul3A_489 : i32
        %get3A_491 = arith.index_cast %mul3A_490 : i32 to index
        %get3A_492 = tpu.vector_load %arg7[%get3A_491] {strides = array<i32>} : memref<12800xi32, #tpu.memory_space<vmem>>, vector<16xi32>,
        %get3A_493 = vector.shape_cast %get3A_492 : vector<16xi32> to vector<16xi32>
        %add3A_494 = vector.broadcast %add3A_488 : i32 to vector<16xi32>
        %add3A_495 = arith.addi %add3A_331, %add3A_494 : vector<16xi32>
        %eq3A_496 = arith.constant 1 : i32
        %eq3A_497 = vector.broadcast %eq3A_496 : i32 to vector<16xi32>
        %eq3A_498 = arith.cmpi eq, %get3A_493, %eq3A_497 : vector<16xi32>
        %select_n3A_499 = arith.select %eq3A_498, %broadcast_in_dim3A_4, %broadcast_in_dim3A_2 : vector<16xi1>, vector<16xi32>
        %add3A_500 = arith.addi %add3A_409, %select_n3A_499 : vector<16xi32>
        %add3A_501 = arith.addi %add3A_500, %add3A_290 : vector<16xi32>
        %mul3A_502 = arith.muli %select_n3A_499, %add3A_501 : vector<16xi32>
        %sub3A_503 = arith.subi %mul3A_502, %broadcast_in_dim3A_316 : vector<16xi32>
        %gt3A_504 = arith.cmpi sgt, %sub3A_503, %broadcast_in_dim3A_2 : vector<16xi32>
        %select_n3A_505 = arith.select %gt3A_504, %broadcast_in_dim3A_4, %broadcast_in_dim3A_2 : vector<16xi1>, vector<16xi32>
        %sub3A_506 = arith.constant 1 : i32
        %sub3A_507 = vector.broadcast %sub3A_506 : i32 to vector<16xi32>
        %sub3A_508 = arith.subi %add3A_501, %sub3A_507 : vector<16xi32>
        %max3A_509 = arith.maxsi %sub3A_508, %broadcast_in_dim3A_316 : vector<16xi32>
        %mul3A_510 = arith.muli %select_n3A_499, %max3A_509 : vector<16xi32>
        %add3A_511 = arith.addi %broadcast_in_dim3A_2, %mul3A_510 : vector<16xi32>
        %add3A_512 = arith.addi %broadcast_in_dim3A_2, %select_n3A_505 : vector<16xi32>
        %eq3A_513 = arith.constant 2 : i32
        %eq3A_514 = vector.broadcast %eq3A_513 : i32 to vector<16xi32>
        %eq3A_515 = arith.cmpi eq, %get3A_493, %eq3A_514 : vector<16xi32>
        %select_n3A_516 = arith.select %eq3A_515, %broadcast_in_dim3A_4, %broadcast_in_dim3A_2 : vector<16xi1>, vector<16xi32>
        %add3A_517 = arith.addi %add3A_425, %select_n3A_516 : vector<16xi32>
        %add3A_518 = arith.addi %add3A_517, %add3A_298 : vector<16xi32>
        %mul3A_519 = arith.muli %select_n3A_516, %add3A_518 : vector<16xi32>
        %sub3A_520 = arith.subi %mul3A_519, %broadcast_in_dim3A_318 : vector<16xi32>
        %gt3A_521 = arith.cmpi sgt, %sub3A_520, %broadcast_in_dim3A_2 : vector<16xi32>
        %select_n3A_522 = arith.select %gt3A_521, %broadcast_in_dim3A_4, %broadcast_in_dim3A_2 : vector<16xi1>, vector<16xi32>
        %sub3A_523 = arith.constant 1 : i32
        %sub3A_524 = vector.broadcast %sub3A_523 : i32 to vector<16xi32>
        %sub3A_525 = arith.subi %add3A_518, %sub3A_524 : vector<16xi32>
        %max3A_526 = arith.maxsi %sub3A_525, %broadcast_in_dim3A_318 : vector<16xi32>
        %mul3A_527 = arith.muli %select_n3A_516, %max3A_526 : vector<16xi32>
        %add3A_528 = arith.addi %add3A_511, %mul3A_527 : vector<16xi32>
        %add3A_529 = arith.addi %add3A_512, %select_n3A_522 : vector<16xi32>
        %eq3A_530 = arith.constant 3 : i32
        %eq3A_531 = vector.broadcast %eq3A_530 : i32 to vector<16xi32>
        %eq3A_532 = arith.cmpi eq, %get3A_493, %eq3A_531 : vector<16xi32>
        %select_n3A_533 = arith.select %eq3A_532, %broadcast_in_dim3A_4, %broadcast_in_dim3A_2 : vector<16xi1>, vector<16xi32>
        %add3A_534 = arith.addi %add3A_442, %select_n3A_533 : vector<16xi32>
        %add3A_535 = arith.addi %add3A_534, %add3A_306 : vector<16xi32>
        %mul3A_536 = arith.muli %select_n3A_533, %add3A_535 : vector<16xi32>
        %sub3A_537 = arith.subi %mul3A_536, %broadcast_in_dim3A_320 : vector<16xi32>
        %gt3A_538 = arith.cmpi sgt, %sub3A_537, %broadcast_in_dim3A_2 : vector<16xi32>
        %select_n3A_539 = arith.select %gt3A_538, %broadcast_in_dim3A_4, %broadcast_in_dim3A_2 : vector<16xi1>, vector<16xi32>
        %sub3A_540 = arith.constant 1 : i32
        %sub3A_541 = vector.broadcast %sub3A_540 : i32 to vector<16xi32>
        %sub3A_542 = arith.subi %add3A_535, %sub3A_541 : vector<16xi32>
        %max3A_543 = arith.maxsi %sub3A_542, %broadcast_in_dim3A_320 : vector<16xi32>
        %mul3A_544 = arith.muli %select_n3A_533, %max3A_543 : vector<16xi32>
        %add3A_545 = arith.addi %add3A_528, %mul3A_544 : vector<16xi32>
        %add3A_546 = arith.addi %add3A_529, %select_n3A_539 : vector<16xi32>
        %eq3A_547 = arith.constant 4 : i32
        %eq3A_548 = vector.broadcast %eq3A_547 : i32 to vector<16xi32>
        %eq3A_549 = arith.cmpi eq, %get3A_493, %eq3A_548 : vector<16xi32>
        %select_n3A_550 = arith.select %eq3A_549, %broadcast_in_dim3A_4, %broadcast_in_dim3A_2 : vector<16xi1>, vector<16xi32>
        %add3A_551 = arith.addi %add3A_459, %select_n3A_550 : vector<16xi32>
        %add3A_552 = arith.addi %add3A_551, %add3A_314 : vector<16xi32>
        %mul3A_553 = arith.muli %select_n3A_550, %add3A_552 : vector<16xi32>
        %sub3A_554 = arith.subi %mul3A_553, %broadcast_in_dim3A_322 : vector<16xi32>
        %gt3A_555 = arith.cmpi sgt, %sub3A_554, %broadcast_in_dim3A_2 : vector<16xi32>
        %select_n3A_556 = arith.select %gt3A_555, %broadcast_in_dim3A_4, %broadcast_in_dim3A_2 : vector<16xi1>, vector<16xi32>
        %sub3A_557 = arith.constant 1 : i32
        %sub3A_558 = vector.broadcast %sub3A_557 : i32 to vector<16xi32>
        %sub3A_559 = arith.subi %add3A_552, %sub3A_558 : vector<16xi32>
        %max3A_560 = arith.maxsi %sub3A_559, %broadcast_in_dim3A_322 : vector<16xi32>
        %mul3A_561 = arith.muli %select_n3A_550, %max3A_560 : vector<16xi32>
        %add3A_562 = arith.addi %add3A_545, %mul3A_561 : vector<16xi32>
        %add3A_563 = arith.addi %add3A_546, %select_n3A_556 : vector<16xi32>
        %mul3A_564 = arith.muli %add3A_563, %add3A_495 : vector<16xi32>
        %mul3A_565 = arith.constant 16 : i32
        %mul3A_566 = arith.muli %add3A_488, %mul3A_565 : i32
        %swap3A_567 = arith.index_cast %mul3A_566 : i32 to index
        %swap3A_568 = tpu.vector_load %arg11[%swap3A_567] {strides = array<i32>} : memref<12800xi32, #tpu.memory_space<vmem>>, vector<16xi32>,
        %swap3A_569 = vector.shape_cast %swap3A_568 : vector<16xi32> to vector<16xi32>
        %swap3A_570 = vector.shape_cast %mul3A_564 : vector<16xi32> to vector<16xi32>
        tpu.vector_store %arg11[%swap3A_567], %swap3A_570 {strides = array<i32>} : memref<12800xi32, #tpu.memory_space<vmem>>, vector<16xi32>,
        %mul3A_571 = arith.constant 16 : i32
        %mul3A_572 = arith.muli %add3A_488, %mul3A_571 : i32
        %swap3A_573 = arith.index_cast %mul3A_572 : i32 to index
        %swap3A_574 = tpu.vector_load %arg10[%swap3A_573] {strides = array<i32>} : memref<12800xi32, #tpu.memory_space<vmem>>, vector<16xi32>,
        %swap3A_575 = vector.shape_cast %swap3A_574 : vector<16xi32> to vector<16xi32>
        %swap3A_576 = vector.shape_cast %add3A_562 : vector<16xi32> to vector<16xi32>
        tpu.vector_store %arg10[%swap3A_573], %swap3A_576 {strides = array<i32>} : memref<12800xi32, #tpu.memory_space<vmem>>, vector<16xi32>,
        scf.yield %add3A_500, %add3A_517, %add3A_534, %add3A_551 : vector<16xi32>, vector<16xi32>, vector<16xi32>, vector<16xi32>
      }
      %scan3A_336 = arith.constant 400 : i32
      %barrier3A = arith.constant 0 : index
      tpu.barrier barrier_id(%barrier3A)
      %scan3A_337 = arith.constant 0 : i32
      %scan3A_338 = arith.constant 0 : i32
      %scan3A_339 = arith.constant 100 : i32
      %scan3A_340 = arith.addi %scan3A_338, %scan3A_339 : i32
      %scan3A_341 = arith.constant 1 : i32
      scf.for %scan3A_392 = %scan3A_338 to %scan3A_340 step %scan3A_341  : i32 {
        %mul3A_393 = arith.constant 128 : i32
        %mul3A_394 = arith.muli %scan3A_392, %mul3A_393 : i32
        %mul3A_395 = arith.constant 128 : i32
        %mul3A_396 = arith.muli %scan3A_392, %mul3A_395 : i32
        %dma_start3A_397 = tpu.memref_slice %arg11[%mul3A_394] : memref<12800xi32, #tpu.memory_space<vmem>> -> memref<128xi32, #tpu.memory_space<vmem>>
        %dma_start3A_398 = tpu.memref_slice %arg10[%mul3A_396] : memref<12800xi32, #tpu.memory_space<vmem>> -> memref<128xi32, #tpu.memory_space<vmem>>
        %dma_start3A_399 = arith.constant 0 : i32
        %dma_start3A_400 = tpu.memref_slice %arg16[%dma_start3A_399] : memref<1024xi32, #tpu.memory_space<vmem_shared>> -> memref<1024xi32, #tpu.memory_space<vmem_shared>>
        tpu.enqueue_indirect_dma source(%dma_start3A_397 : memref<128xi32, #tpu.memory_space<vmem>>) target(%dma_start3A_400 : memref<1024xi32, #tpu.memory_space<vmem_shared>>) offsets(%dma_start3A_398 : memref<128xi32, #tpu.memory_space<vmem>>) semaphore(%arg17 : memref<!tpu.dma_semaphore, #tpu.memory_space<semaphore_mem>>) {add = true}
      }
      %scan3A_342 = arith.constant 100 : i32
      %dma_wait3A = arith.constant 0 : i32
      %dma_wait3A_343 = tpu.memref_slice %arg2[%arg1, %dma_wait3A] : memref<16x12800xi32, #tpu.memory_space<hbm>> -> memref<1x12800xi32, #tpu.memory_space<hbm>>
      %dma_wait3A_344 = tpu.memref_squeeze %dma_wait3A_343 : memref<1x12800xi32, #tpu.memory_space<hbm>> -> memref<12800xi32, #tpu.memory_space<hbm>>
      %dma_wait3A_345 = arith.constant 0 : i32
      %dma_wait3A_346 = tpu.memref_slice %arg2[%arg1, %dma_wait3A_345] : memref<16x12800xi32, #tpu.memory_space<hbm>> -> memref<1x12800xi32, #tpu.memory_space<hbm>>
      %dma_wait3A_347 = tpu.memref_squeeze %dma_wait3A_346 : memref<1x12800xi32, #tpu.memory_space<hbm>> -> memref<12800xi32, #tpu.memory_space<hbm>>
      tpu.wait_dma2 semaphore(%arg17 : memref<!tpu.dma_semaphore, #tpu.memory_space<semaphore_mem>>) src(%dma_wait3A_347 : memref<12800xi32, #tpu.memory_space<hbm>>) dst(%arg11 : memref<12800xi32, #tpu.memory_space<vmem>>)
      %barrier3A_348 = arith.constant 0 : index
      tpu.barrier barrier_id(%barrier3A_348)
      %mul3A_349 = arith.constant 64 : i32
      %mul3A_350 = arith.muli %arg1, %mul3A_349 : i32
      "tpu.region"() ({
        %run_scoped3A = tpu.sem_alloc : memref<!tpu.dma_semaphore, #tpu.memory_space<semaphore_mem>>
        %dma_start3A_392 = tpu.memref_slice %arg16[%mul3A_350] : memref<1024xi32, #tpu.memory_space<vmem_shared>> -> memref<64xi32, #tpu.memory_space<vmem_shared>>
        %dma_start3A_393 = tpu.memref_slice %arg16[%mul3A_350] : memref<1024xi32, #tpu.memory_space<vmem_shared>> -> memref<64xi32, #tpu.memory_space<vmem_shared>>
        tpu.enqueue_dma source(%dma_start3A_393 : memref<64xi32, #tpu.memory_space<vmem_shared>>) target(%arg13 : memref<64xi32, #tpu.memory_space<vmem>>) target_semaphore(%run_scoped3A : memref<!tpu.dma_semaphore, #tpu.memory_space<semaphore_mem>>)
        %dma_wait3A_394 = tpu.memref_slice %arg16[%mul3A_350] : memref<1024xi32, #tpu.memory_space<vmem_shared>> -> memref<64xi32, #tpu.memory_space<vmem_shared>>
        %dma_wait3A_395 = tpu.memref_slice %arg16[%mul3A_350] : memref<1024xi32, #tpu.memory_space<vmem_shared>> -> memref<64xi32, #tpu.memory_space<vmem_shared>>
        tpu.wait_dma2 semaphore(%run_scoped3A : memref<!tpu.dma_semaphore, #tpu.memory_space<semaphore_mem>>) src(%dma_wait3A_395 : memref<64xi32, #tpu.memory_space<vmem_shared>>) dst(%arg13 : memref<64xi32, #tpu.memory_space<vmem>>)
        tpu.yield
      }) : () -> ()
      %get3A_351 = arith.constant 0 : index
      %get3A_352 = tpu.vector_load %arg13[%get3A_351] {strides = array<i32>} : memref<64xi32, #tpu.memory_space<vmem>>, vector<16xi32>,
      %get3A_353 = vector.shape_cast %get3A_352 : vector<16xi32> to vector<16xi32>
      %sub3A = arith.subi %get3A_353, %broadcast_in_dim3A_4 : vector<16xi32>
      %max3A = arith.maxsi %sub3A, %broadcast_in_dim3A_2 : vector<16xi32>
      %swap3A_354 = arith.constant 0 : index
      %swap3A_355 = tpu.vector_load %arg14[%swap3A_354] {strides = array<i32>} : memref<64xi32, #tpu.memory_space<vmem>>, vector<16xi32>,
      %swap3A_356 = vector.shape_cast %swap3A_355 : vector<16xi32> to vector<16xi32>
      %swap3A_357 = vector.shape_cast %max3A : vector<16xi32> to vector<16xi32>
      tpu.vector_store %arg14[%swap3A_354], %swap3A_357 {strides = array<i32>} : memref<64xi32, #tpu.memory_space<vmem>>, vector<16xi32>,
      %get3A_358 = arith.constant 16 : index
      %get3A_359 = tpu.vector_load %arg13[%get3A_358] {strides = array<i32>} : memref<64xi32, #tpu.memory_space<vmem>>, vector<16xi32>,
      %get3A_360 = vector.shape_cast %get3A_359 : vector<16xi32> to vector<16xi32>
      %sub3A_361 = arith.subi %get3A_360, %broadcast_in_dim3A_4 : vector<16xi32>
      %max3A_362 = arith.maxsi %sub3A_361, %broadcast_in_dim3A_2 : vector<16xi32>
      %swap3A_363 = arith.constant 16 : index
      %swap3A_364 = tpu.vector_load %arg14[%swap3A_363] {strides = array<i32>} : memref<64xi32, #tpu.memory_space<vmem>>, vector<16xi32>,
      %swap3A_365 = vector.shape_cast %swap3A_364 : vector<16xi32> to vector<16xi32>
      %swap3A_366 = vector.shape_cast %max3A_362 : vector<16xi32> to vector<16xi32>
      tpu.vector_store %arg14[%swap3A_363], %swap3A_366 {strides = array<i32>} : memref<64xi32, #tpu.memory_space<vmem>>, vector<16xi32>,
      %get3A_367 = arith.constant 32 : index
      %get3A_368 = tpu.vector_load %arg13[%get3A_367] {strides = array<i32>} : memref<64xi32, #tpu.memory_space<vmem>>, vector<16xi32>,
      %get3A_369 = vector.shape_cast %get3A_368 : vector<16xi32> to vector<16xi32>
      %sub3A_370 = arith.subi %get3A_369, %broadcast_in_dim3A_4 : vector<16xi32>
      %max3A_371 = arith.maxsi %sub3A_370, %broadcast_in_dim3A_2 : vector<16xi32>
      %swap3A_372 = arith.constant 32 : index
      %swap3A_373 = tpu.vector_load %arg14[%swap3A_372] {strides = array<i32>} : memref<64xi32, #tpu.memory_space<vmem>>, vector<16xi32>,
      %swap3A_374 = vector.shape_cast %swap3A_373 : vector<16xi32> to vector<16xi32>
      %swap3A_375 = vector.shape_cast %max3A_371 : vector<16xi32> to vector<16xi32>
      tpu.vector_store %arg14[%swap3A_372], %swap3A_375 {strides = array<i32>} : memref<64xi32, #tpu.memory_space<vmem>>, vector<16xi32>,
      %get3A_376 = arith.constant 48 : index
      %get3A_377 = tpu.vector_load %arg13[%get3A_376] {strides = array<i32>} : memref<64xi32, #tpu.memory_space<vmem>>, vector<16xi32>,
      %get3A_378 = vector.shape_cast %get3A_377 : vector<16xi32> to vector<16xi32>
      %sub3A_379 = arith.subi %get3A_378, %broadcast_in_dim3A_4 : vector<16xi32>
      %max3A_380 = arith.maxsi %sub3A_379, %broadcast_in_dim3A_2 : vector<16xi32>
      %swap3A_381 = arith.constant 48 : index
      %swap3A_382 = tpu.vector_load %arg14[%swap3A_381] {strides = array<i32>} : memref<64xi32, #tpu.memory_space<vmem>>, vector<16xi32>,
      %swap3A_383 = vector.shape_cast %swap3A_382 : vector<16xi32> to vector<16xi32>
      %swap3A_384 = vector.shape_cast %max3A_380 : vector<16xi32> to vector<16xi32>
      tpu.vector_store %arg14[%swap3A_381], %swap3A_384 {strides = array<i32>} : memref<64xi32, #tpu.memory_space<vmem>>, vector<16xi32>,
      %dma_start3A = arith.constant 0 : i32
      %dma_start3A_385 = arith.constant 0 : i32
      %dma_start3A_386 = tpu.memref_slice %arg3[%dma_start3A, %dma_start3A_385] : memref<204800x64xf32, #tpu.memory_space<hbm>> -> memref<204800x64xf32, #tpu.memory_space<hbm>>
      tpu.enqueue_indirect_dma source(%dma_start3A_386 : memref<204800x64xf32, #tpu.memory_space<hbm>>) target(%arg15 : memref<64x64xf32, #tpu.memory_space<vmem>>) offsets(%arg14 : memref<64xi32, #tpu.memory_space<vmem>>) semaphore(%arg17 : memref<!tpu.dma_semaphore, #tpu.memory_space<semaphore_mem>>)
      %dma_wait3A_387 = arith.constant 0 : i32
      %dma_wait3A_388 = arith.constant 0 : i32
      %dma_wait3A_389 = tpu.memref_slice %arg3[%dma_wait3A_387, %dma_wait3A_388] : memref<204800x64xf32, #tpu.memory_space<hbm>> -> memref<204800x64xf32, #tpu.memory_space<hbm>>
      tpu.wait_indirect_dma semaphore(%arg17 : memref<!tpu.dma_semaphore, #tpu.memory_space<semaphore_mem>>) src(%dma_wait3A_389 : memref<204800x64xf32, #tpu.memory_space<hbm>>) dst(%arg15 : memref<64x64xf32, #tpu.memory_space<vmem>>)
      %mul3A_390 = arith.constant 64 : i32
      %mul3A_391 = arith.muli %arg1, %mul3A_390 : i32
      "tpu.region"() ({
        %run_scoped3A = tpu.sem_alloc : memref<!tpu.dma_semaphore, #tpu.memory_space<semaphore_mem>>
        %dma_start3A_392 = arith.constant 0 : i32
        %dma_start3A_393 = tpu.memref_slice %arg6[%mul3A_391, %dma_start3A_392] : memref<1024x64xf32, #tpu.memory_space<hbm>> -> memref<64x64xf32, #tpu.memory_space<hbm>>
        %dma_start3A_394 = arith.constant 0 : i32
        %dma_start3A_395 = tpu.memref_slice %arg6[%mul3A_391, %dma_start3A_394] : memref<1024x64xf32, #tpu.memory_space<hbm>> -> memref<64x64xf32, #tpu.memory_space<hbm>>
        tpu.enqueue_dma source(%arg15 : memref<64x64xf32, #tpu.memory_space<vmem>>) target(%dma_start3A_395 : memref<64x64xf32, #tpu.memory_space<hbm>>) target_semaphore(%run_scoped3A : memref<!tpu.dma_semaphore, #tpu.memory_space<semaphore_mem>>)
        %dma_wait3A_396 = arith.constant 0 : i32
        %dma_wait3A_397 = tpu.memref_slice %arg6[%mul3A_391, %dma_wait3A_396] : memref<1024x64xf32, #tpu.memory_space<hbm>> -> memref<64x64xf32, #tpu.memory_space<hbm>>
        %dma_wait3A_398 = arith.constant 0 : i32
        %dma_wait3A_399 = tpu.memref_slice %arg6[%mul3A_391, %dma_wait3A_398] : memref<1024x64xf32, #tpu.memory_space<hbm>> -> memref<64x64xf32, #tpu.memory_space<hbm>>
        tpu.wait_dma2 semaphore(%run_scoped3A : memref<!tpu.dma_semaphore, #tpu.memory_space<semaphore_mem>>) src(%arg15 : memref<64x64xf32, #tpu.memory_space<vmem>>) dst(%dma_wait3A_399 : memref<64x64xf32, #tpu.memory_space<hbm>>)
        tpu.yield
      }) : () -> ()
    } else {
    }
    return
  }
}

module attributes {stable_mosaic.version = 14 : i64} {
  func.func @body(%arg0: memref<4x256xi32, #tpu.memory_space<vmem>>, %arg1: memref<4x256xi32, #tpu.memory_space<vmem>>, %arg2: memref<12x16xi32, #tpu.memory_space<vmem>>) attributes {dimension_semantics = [], scalar_prefetch = 0 : i64, scratch_operands = 0 : i64, tpu.core_type = #tpu.core_type<tc>} {
    %get3A = arith.constant 0 : index
    %get3A_0 = arith.constant 0 : index
    %get3A_1 = vector.load %arg0[%get3A, %get3A_0] : memref<4x256xi32, #tpu.memory_space<vmem>>, vector<4x256xi32>
    %convert_element_type3A = arith.sitofp %get3A_1 : vector<4x256xi32> to vector<4x256xf32>
    %iota3A = tpu.iota {dimensions = array<i32: 0>} : vector<256x256xi32>
    %iota3A_2 = tpu.iota {dimensions = array<i32: 1>} : vector<256x256xi32>
    %lt3A = arith.cmpi slt, %iota3A, %iota3A_2 : vector<256x256xi32>
    %jit3A = arith.constant 1.000000e+00 : f32
    %jit3A_3 = arith.constant 0.000000e+00 : f32
    %broadcast_in_dim3A = vector.broadcast %jit3A : f32 to vector<256x256xf32>
    %broadcast_in_dim3A_4 = vector.broadcast %jit3A_3 : f32 to vector<256x256xf32>
    %select_n3A = arith.select %lt3A, %broadcast_in_dim3A, %broadcast_in_dim3A_4 : vector<256x256xi1>, vector<256x256xf32>
    %dot_general3A = arith.constant dense<0.000000e+00> : vector<4x256xf32>
    %dot_general3A_5 = tpu.matmul %convert_element_type3A, %select_n3A, %dot_general3A {dimension_numbers = #tpu.dot_dimension_numbers<[1], [0], [0], [1], [0, 0, 1, 1], [], []>, transpose_lhs_hint = false} : vector<4x256xf32>, vector<256x256xf32>, vector<4x256xf32> -> vector<4x256xf32>
    %convert_element_type3A_6 = arith.fptosi %dot_general3A_5 : vector<4x256xf32> to vector<4x256xi32>
    %swap3A = arith.constant 0 : index
    %swap3A_7 = arith.constant 0 : index
    %swap3A_8 = vector.load %arg1[%swap3A, %swap3A_7] : memref<4x256xi32, #tpu.memory_space<vmem>>, vector<4x256xi32>
    tpu.vector_store %arg1[%swap3A, %swap3A_7], %convert_element_type3A_6 {strides = array<i32>} : memref<4x256xi32, #tpu.memory_space<vmem>>, vector<4x256xi32>,
    %get3A_9 = arith.constant 0 : index
    %get3A_10 = arith.constant 0 : index
    %get3A_11 = vector.load %arg0[%get3A_9, %get3A_10] : memref<4x256xi32, #tpu.memory_space<vmem>>, vector<4x256xi32>
    %reduce_sum3A = arith.constant dense<0> : vector<4xi32>
    %reduce_sum3A_12 = vector.multi_reduction <add>, %get3A_11, %reduce_sum3A [1] : vector<4x256xi32> to vector<4xi32>
    %broadcast_in_dim3A_13 = vector.shape_cast %reduce_sum3A_12 : vector<4xi32> to vector<4x1xi32>
    %sub3A = arith.constant 200 : i32
    %sub3A_14 = vector.broadcast %sub3A : i32 to vector<4x1xi32>
    %sub3A_15 = arith.subi %broadcast_in_dim3A_13, %sub3A_14 : vector<4x1xi32>
    %max3A = arith.constant 0 : i32
    %max3A_16 = vector.broadcast %max3A : i32 to vector<4x1xi32>
    %max3A_17 = arith.maxsi %sub3A_15, %max3A_16 : vector<4x1xi32>
    %sub3A_18 = arith.constant 199 : i32
    %sub3A_19 = vector.broadcast %sub3A_18 : i32 to vector<4x1xi32>
    %sub3A_20 = arith.subi %sub3A_19, %broadcast_in_dim3A_13 : vector<4x1xi32>
    %broadcast_in_dim3A_21 = vector.shape_cast %max3A_17 : vector<4x1xi32> to vector<4x1xi32>
    %broadcast_in_dim3A_22 = vector.broadcast %broadcast_in_dim3A_21 : vector<4x1xi32> to vector<4x16xi32>
    %broadcast_in_dim3A_23 = vector.shape_cast %sub3A_20 : vector<4x1xi32> to vector<4x1xi32>
    %broadcast_in_dim3A_24 = vector.broadcast %broadcast_in_dim3A_23 : vector<4x1xi32> to vector<4x16xi32>
    %broadcast_in_dim3A_25 = vector.shape_cast %broadcast_in_dim3A_13 : vector<4x1xi32> to vector<4x1xi32>
    %broadcast_in_dim3A_26 = vector.broadcast %broadcast_in_dim3A_25 : vector<4x1xi32> to vector<4x16xi32>
    %concatenate3A = tpu.concatenate %broadcast_in_dim3A_22, %broadcast_in_dim3A_24, %broadcast_in_dim3A_26 in 0 : vector<4x16xi32>, vector<4x16xi32>, vector<4x16xi32> -> vector<12x16xi32>
    %swap3A_27 = arith.constant 0 : index
    %swap3A_28 = arith.constant 0 : index
    %swap3A_29 = vector.load %arg2[%swap3A_27, %swap3A_28] : memref<12x16xi32, #tpu.memory_space<vmem>>, vector<12x16xi32>
    tpu.vector_store %arg2[%swap3A_27, %swap3A_28], %concatenate3A {strides = array<i32>} : memref<12x16xi32, #tpu.memory_space<vmem>>, vector<12x16xi32>,
    return
  }
}

module attributes {stable_mosaic.version = 14 : i64} {
  func.func @body(%arg0: i32, %arg1: i32, %arg2: memref<4xi32, #tpu.memory_space<smem>>, %arg3: memref<1x256x64xf32, #tpu.memory_space<vmem>>, %arg4: memref<1x64x200x64xf32, #tpu.memory_space<vmem>>) attributes {dimension_semantics = [#tpu.dimension_semantics<arbitrary>, #tpu.dimension_semantics<arbitrary>], iteration_bounds = array<i64: 4, 16>, scalar_prefetch = 0 : i64, scratch_operands = 0 : i64, tpu.core_type = #tpu.core_type<tc>, window_params = [{transform_indices = @transform_0, window_bounds = array<i64: 4>}, {transform_indices = @transform_1, window_bounds = array<i64: 1, 256, 64>}, {transform_indices = @transform_2, window_bounds = array<i64: 1, 64, 200, 64>}]} {
    %get3A = arith.index_cast %arg0 : i32 to index
    %get3A_0 = memref.load %arg2[%get3A] : memref<4xi32, #tpu.memory_space<smem>>
    %sub3A = arith.constant 200 : i32
    %sub3A_1 = arith.subi %sub3A, %get3A_0 : i32
    %iota3A = tpu.iota {dimensions = array<i32: 1>} : vector<1x200x64xi32>
    %ge3A = vector.broadcast %sub3A_1 : i32 to vector<1x200x64xi32>
    %ge3A_2 = arith.cmpi sge, %iota3A, %ge3A : vector<1x200x64xi32>
    %get3A_3 = arith.constant 0 : index
    %get3A_4 = arith.constant 0 : index
    %get3A_5 = arith.constant 0 : index
    %get3A_6 = vector.load %arg3[%get3A_3, %get3A_4, %get3A_5] : memref<1x256x64xf32, #tpu.memory_space<vmem>>, vector<1x200x64xf32>
    %jit3A = arith.constant 0.000000e+00 : f32
    %broadcast_in_dim3A = vector.broadcast %jit3A : f32 to vector<1x200x64xf32>
    %select_n3A = arith.select %ge3A_2, %get3A_6, %broadcast_in_dim3A : vector<1x200x64xi1>, vector<1x200x64xf32>
    %broadcast_in_dim3A_7 = vector.shape_cast %select_n3A : vector<1x200x64xf32> to vector<1x1x200x64xf32>
    %broadcast_in_dim3A_8 = vector.shape_cast %broadcast_in_dim3A_7 : vector<1x1x200x64xf32> to vector<1x1x200x64xf32>
    %broadcast_in_dim3A_9 = vector.broadcast %broadcast_in_dim3A_8 : vector<1x1x200x64xf32> to vector<1x64x200x64xf32>
    %swap3A = arith.constant 0 : index
    %swap3A_10 = arith.constant 0 : index
    %swap3A_11 = arith.constant 0 : index
    %swap3A_12 = arith.constant 0 : index
    %swap3A_13 = vector.load %arg4[%swap3A, %swap3A_10, %swap3A_11, %swap3A_12] : memref<1x64x200x64xf32, #tpu.memory_space<vmem>>, vector<1x64x200x64xf32>
    tpu.vector_store %arg4[%swap3A, %swap3A_10, %swap3A_11, %swap3A_12], %broadcast_in_dim3A_9 {strides = array<i32>} : memref<1x64x200x64xf32, #tpu.memory_space<vmem>>, vector<1x64x200x64xf32>,
    return
  }
  func.func @transform_0(%arg0: i32, %arg1: i32) -> i32 {
    %c0_i32 = arith.constant 0 : i32
    %c0_i32_0 = arith.constant 0 : i32
    return %c0_i32 : i32
  }
  func.func @transform_1(%arg0: i32, %arg1: i32) -> (i32, i32, i32) {
    %c0_i32 = arith.constant 0 : i32
    %c0_i32_0 = arith.constant 0 : i32
    %c0_i32_1 = arith.constant 0 : i32
    return %arg0, %c0_i32, %c0_i32_0 : i32, i32, i32
  }
  func.func @transform_2(%arg0: i32, %arg1: i32) -> (i32, i32, i32, i32) {
    %c0_i32 = arith.constant 0 : i32
    %c0_i32_0 = arith.constant 0 : i32
    %c0_i32_1 = arith.constant 0 : i32
    return %arg0, %arg1, %c0_i32, %c0_i32_0 : i32, i32, i32, i32
  }
}

</mosaic_0001>

<sc_bundles>
// kernel: kernel.6.cloned.1.call-start
scs
__scs_entry_jumppad:
0x0: {  	(pc) =	sbr.rel $0x88, $3  }
0x1: {  	(tag) =	ssettag $0x0;
	lr =	simm.s32 $0x1  }
0x2: {  	[smem:$0x3F9F] =	sst lr;
	_ =	strace $0xD0000000  }
0x3: {  	_ = 	snop  }
0x4: {  	_ = 	snop  }
0x5: {  	_ = 	snop  }
0x6: {  	_ = 	snop  }
0x7: {  	_ = 	snop  }
__scs_overlays_trampoline_lowered:
0x8: {  	[smem:$0x3FAE] =	sst s0  }
0x9: {  	[smem:$0x3FAF] =	sst s1  }
0xa: {  	[smem:$0x3FB0] =	sst s2  }
0xb: {  	[smem:$0x3FB1] =	sst s3  }
0xc: {  	[smem:$0x3FB2] =	sst s4  }
0xd: {  	[smem:$0x3FB3] =	sst s5  }
0xe: {  	[smem:$0x3FB4] =	sst s6  }
0xf: {  	[smem:$0x3FB5] =	sst s7  }
0x10: {  	[smem:$0x3FB6] =	sst s8  }
0x11: {  	[smem:$0x3FB7] =	sst s9;
	s0 =	simm.s32 @!p0 $0x0  }
0x12: {  	s1 =	sld [smem:$0x3F9D];
	s0 =	simm.s32 @p0 $0x1  }
0x13: {  	[smem:$0x3FB8] =	sst s0;
	s0 =	simm.s32 @!p1 $0x0  }
0x14: {  	s2 =	sld [smem:$0x3F9C];
	s0 =	simm.s32 @p1 $0x1  }
0x15: {  	[smem:$0x3FB9] =	sst s0;
	s0 =	simm.s32 @!p2 $0x0  }
0x16: {  	s3 =	sld [smem:$0x3FDB];
	s0 =	simm.s32 @p2 $0x1  }
0x17: {  	s4 =	simm.s32 $0x1BF5;
	[smem:$0x3FBB] =	sst s0  }
0x18: {  	s0 =	sld [smem:$0x3F9E];
	_ =	swait.ge [sflag:s4], $0x0  }
0x19: {  	s7 =	sld [smem:$0x3F9F]  }
0x1a: {  	s8 =	sadd.s32 $0xFFFFE003, lr  }
0x1b: {  	s9 =	sadd.s32 $0xFFFFFEF7, lr;
	s5 =	simm.s32 $0xFFFFFFFF;
	p2 =	slt.u32 s8, $0xFFFFF086  }
0x1c: {  	p1 =	slt.u32 s9, $0xF7A;
	s5 =	simm.s32 @!p2 $0x0  }
0x1d: {  	s5 =	simm.s32 @p1 $0x1;
	p0 =	seq.s32 s7, s2  }
0x1e: {  	s7 =	smul.u32 @!p0 $0xF7A, s2;
	p2 =	seq.s32 @!p0 s5, $0x0  }
0x1f: {  	s9 =	smul.u32 $0xF7A, s1;
	s8 =	simm.s32 @!p0 $0x1BF5;
	p2 =	por !p2, p0  }
0x20: {  	[sflag:s8] =	ssyncset.s32 @!p0 $0xFFFFF086;
	s6 =	sadd.s32 @!p0 s3, s7;
	s7 =	simm.s32 @!p0 $0x108  }
0x21: {  	s3 =	sadd.s32 s3, s9;
	s6 =	sadd.s32 @!p0 $0x88, s6;
	s7 =	simm.s32 @p2 $0x1082  }
0x22: {  	[simem:s7], [sflag:s8] =	dma.local @!p0 [hbm:s6], $0xF7A  }
0x23: {  	s9 =	sor.u32 $0xD0000000, s2;
	s6 =	simm.s32 $0x108;
	_ =	swait.ge @!p0 [sflag:s8], $0x0  }
0x24: {  	s3 =	sadd.s32 $0x88, s3;
	s6 =	simm.s32 @!p1 $0x1082;
	[sflag:s4] =	ssyncset.s32 $0xFFFFF086  }
0x25: {  	[simem:s6], [sflag:s4] =	dma.local [hbm:s3], $0xF7A  }
0x26: {  	[smem:$0x3F9F] =	sst s1;
	(tag) =	ssettag s2;
	_ =	strace s9  }
0x27: {  	s1 =	sld [smem:$0x3FAF]  }
0x28: {  	s2 =	sld [smem:$0x3FB0]  }
0x29: {  	s4 =	sld [smem:$0x3FB2]  }
0x2a: {  	p0 =	seq.s32 s5, $0x0;
	s5 =	sld [smem:$0x3FB3]  }
0x2b: {  	s6 =	sld [smem:$0x3FB4]  }
0x2c: {  	s7 =	sld [smem:$0x3FB5]  }
0x2d: {  	s3 =	simm.s32 $0x108;
	s8 =	sld [smem:$0x3FB6]  }
0x2e: {  	s3 =	simm.s32 @!p0 $0x1082;
	s9 =	sld [smem:$0x3FB7]  }
0x2f: {  	lr =	sadd.s32 s0, s3;
	s0 =	sld [smem:$0x3FAE]  }
0x30: {  	s3 =	sld [smem:$0x3FB1]  }
0x31: {  	[smem:$0x3FBA] =	sst s10  }
0x32: {  	s10 =	sld [smem:$0x3FB8];
	_ =	sdelay $0x3  }
0x33: {  	p0 =	seq.s32 s10, $0x1;
	s10 =	sld [smem:$0x3FBA];
	_ =	sdelay $0x3  }
0x34: {  	[smem:$0x3FBA] =	sst s10  }
0x35: {  	s10 =	sld [smem:$0x3FB9];
	_ =	sdelay $0x3  }
0x36: {  	p1 =	seq.s32 s10, $0x1;
	s10 =	sld [smem:$0x3FBA];
	_ =	sdelay $0x3  }
0x37: {  	[smem:$0x3FBA] =	sst s10  }
0x38: {  	s10 =	sld [smem:$0x3FBB]  }
0x39: {  	_ = 	snop;
	(pc) =	sbr.ind lr, $3  }
0x3a: {  	_ = 	snop  }
0x3b: {  	_ = 	snop  }
0x3c: {  	p2 =	seq.s32 s10, $0x1;
	s10 =	sld [smem:$0x3FBA]  }
0x3d: {  	_ =	shalt  }
0x3e: {  	_ =	shalt  }
0x3f: {  	_ =	shalt  }
0x40: {  	_ =	shalt  }
0x41: {  	_ =	shalt  }
0x42: {  	_ =	shalt  }
0x43: {  	_ =	shalt  }
0x44: {  	_ =	shalt  }
0x45: {  	_ =	shalt  }
0x46: {  	_ =	shalt  }
0x47: {  	_ =	shalt  }
0x48: {  	_ =	shalt  }
0x49: {  	_ =	shalt  }
0x4a: {  	_ =	shalt  }
0x4b: {  	_ =	shalt  }
0x4c: {  	_ =	shalt  }
0x4d: {  	_ =	shalt  }
0x4e: {  	_ =	shalt  }
0x4f: {  	_ =	shalt  }
0x50: {  	_ =	shalt  }
0x51: {  	_ =	shalt  }
0x52: {  	_ =	shalt  }
0x53: {  	_ =	shalt  }
0x54: {  	_ =	shalt  }
0x55: {  	_ =	shalt  }
0x56: {  	_ =	shalt  }
0x57: {  	_ =	shalt  }
0x58: {  	_ =	shalt  }
0x59: {  	_ =	shalt  }
0x5a: {  	_ =	shalt  }
0x5b: {  	_ =	shalt  }
0x5c: {  	_ =	shalt  }
0x5d: {  	_ =	shalt  }
0x5e: {  	_ =	shalt  }
0x5f: {  	_ =	shalt  }
0x60: {  	_ =	shalt  }
0x61: {  	_ =	shalt  }
0x62: {  	_ =	shalt  }
0x63: {  	_ =	shalt  }
0x64: {  	_ =	shalt  }
0x65: {  	_ =	shalt  }
0x66: {  	_ =	shalt  }
0x67: {  	_ =	shalt  }
0x68: {  	_ =	shalt  }
0x69: {  	_ =	shalt  }
0x6a: {  	_ =	shalt  }
0x6b: {  	_ =	shalt  }
0x6c: {  	_ =	shalt  }
0x6d: {  	_ =	shalt  }
0x6e: {  	_ =	shalt  }
0x6f: {  	_ =	shalt  }
0x70: {  	_ =	shalt  }
0x71: {  	_ =	shalt  }
0x72: {  	_ =	shalt  }
0x73: {  	_ =	shalt  }
0x74: {  	_ =	shalt  }
0x75: {  	_ =	shalt  }
0x76: {  	_ =	shalt  }
0x77: {  	_ =	shalt  }
0x78: {  	_ =	shalt  }
0x79: {  	_ =	shalt  }
0x7a: {  	_ =	shalt  }
0x7b: {  	_ =	shalt  }
0x7c: {  	_ =	shalt  }
0x7d: {  	_ =	shalt  }
0x7e: {  	_ =	shalt  }
0x7f: {  	_ =	shalt  }
0x80: {  	_ =	shalt  }
0x81: {  	_ =	shalt  }
0x82: {  	_ =	shalt  }
0x83: {  	_ =	shalt  }
0x84: {  	_ =	shalt  }
0x85: {  	_ =	shalt  }
0x86: {  	_ =	shalt  }
0x87: {  	_ =	shalt  }
.Lfunc_end0:
.L_simem_size_0:
called_computation_lowered:
.L_overlay_start_0:
0x88: {  	s2 =	sld [smem:$0x3FD9]  }
0x89: {  	s3 =	sld [smem:$0x3FFE];
	_ =	sdelay $0x1  }
0x8a: {  	s1 =	srdreg.scid  }
0x8b: {  	s0 =	sand.u32 $0x1, s1  }
0x8c: {  	s16 =	sshll.u32 s0, $0xA;
	s2 =	sadd.s32 s3, s2  }
0x8d: {  	s2 =	sadd.s32 s2, s16  }
0x8e: {  	[smem:$0x3FC6] =	sst s2  }
0x8f: {  	_ = 	snop  }
0x90: {  	(tm) =	ssettm $0x1  }
0x91: {  	s17 =	sld [smem:$0x3FFB];
	_ =	sdelay $0x3  }
0x92: {  	_ =	strace s17  }
0x93: {  	s2 =	sld [smem:$0x3FFC];
	_ =	sdelay $0x3  }
0x94: {  	_ =	strace s2  }
0x95: {  	s2 =	sld [smem:$0x3FFD];
	_ =	sdelay $0x3  }
0x96: {  	_ =	strace s2  }
0x97: {  	_ =	strace $0x8FFFFFFF  }
0x98: {  	s18 =	sld [smem:$0x3FDB];
	_ =	sdelay $0x1  }
0x99: {  	s19 =	simm.s32 $_scs_section_size  }
0x9a: {  	s4 =	simm.s32 $_size__tile_overlayer_lowered;
	s5 =	simm.s32 $_tile_overlayer_lowered  }
0x9b: {  	s22 =	simm.s32 $0x1BFF;
	s21 =	sshll.u32 s5, $0x1;
	s2 =	sadd.s32 s19, s18  }
0x9c: {  	s6 =	simm.s32 $0x0;
	s20 =	sshll.u32 s4, $0x1;
	s4 =	sadd.s32 s21, s2  }
0x9d: {  	[timem:s6], [sflag:s22] =	dma.local [hbm:s4], s20  }
0x9e: {  	_ =	swait.ge [sflag:s22], s20  }
0x9f: {  	s3 =	ssub.s32 $0x0, s20;
	[sflag:s22] =	ssyncset.done $0x0  }
0xa0: {  	[sflag:s22] =	ssyncadd.s32 s3;
	_ =	sdelay $0x1  }
0xa1: {  	s23 =	simm.s32 $0x1B8B  }
0xa2: {  	_ =	swait.ge [sflag:s23], $0x1  }
0xa3: {  	[sflag:s23] =	ssyncset.done $0x0  }
0xa4: {  	s25 =	simm.s32 $0x1B8E;
	s24 =	sld [smem:$0x3FFE];
	[sflag:s23] =	ssyncadd.s32 $0xFFFFFFFF  }
0xa5: {  	s26 =	simm.s32 $execute0_lowered;
	[smem:$0x3FD2] =	sst s25  }
0xa6: {  	s4 =	sshll.u32 s26, $0x1;
	_ =	strace $0x80000046;
	[dreg:$0x1] =	wrdreg $0xFFFFFFFF  }
0xa7: {  	s28 =	simm.s32 $_size_execute0_lowered;
	s2 =	sadd.s32 s2, s4;
	[dreg:$0x0] =	wrdreg $0x0  }
0xa8: {  	s4 =	sshll.u32 s28, $0x1;
	[dreg:$0x2] =	wrdreg s2  }
0xa9: {  	[dreg:$0x3] =	wrdreg s4  }
0xaa: {  	[dreg:$0x4] =	wrdreg $0xC0  }
0xab: {  	_ =	task [dreg:s6], $0x5FFFF  }
0xac: {  	[dreg:$0x1] =	wrdreg $0xFFFFFFFF  }
0xad: {  	[dreg:$0x0] =	wrdreg $0x60  }
0xae: {  	[dreg:$0x2] =	wrdreg s24  }
0xaf: {  	[dreg:$0x3] =	wrdreg $0x9  }
0xb0: {  	_ =	task.clear_ibuf [dreg:s6], $0x4FFFF;
	_ =	strace $0x90000046  }
0xb1: {  	s29 =	simm.s32 $0x9;
	_ =	strace $0x80000048  }
0xb2: {  	_ =	swait.ge [sflag:s29], $0x1  }
0xb3: {  	[sflag:s29] =	ssyncadd.s32 $0xFFFFFFFF  }
0xb4: {  	_ =	strace $0x90000048  }
0xb5: {  	_ =	sfence  }
0xb6: {  	s30 =	sld [smem:$0x0];
	_ =	sdelay $0x2  }
0xb7: {  	s31 =	sshll.u32 s1, $0xD;
	s1 =	sshrl.u32 s1, $0x2  }
0xb8: {  	s3 =	sand.u32 $0x4000, s31;
	s1 =	sadd.s32 s1, s30  }
0xb9: {  	s0 =	sor.u32 s3, s0;
	s1 =	sshll.u32 s1, $0x11  }
0xba: {  	s0 =	sor.u32 s1, s0  }
0xbb: {  	s0 =	sadd.s32 $0x8F2B, s0  }
0xbc: {  	[sflag:s0] =	ssyncadd.remote.s32 $0x1  }
0xbd: {  	_ =	sfence.sel $0xFFFF  }
0xbe: {  	[dreg:$0x0] =	wrdreg $0xFFFFFFFF;
	(pc) =	sbr.abs _section_cstart, $3  }
0xbf: {  	[dreg:$0x1] =	wrdreg $0xFFFFFFFF  }
0xc0: {  	_ =	task.clear_ibuf [dreg:s6], $0x2FFFF;
	_ =	strace $0x9FFFFFFF  }
0xc1: {  	(tm) =	ssettm $0x7FFFFFFF  }
tec
execute0_lowered:
.L_overlay_start_1:
0x0: {  	(tag) =	ssettag $0x1  }
0x1: {  	s1 =	srdreg.scid  }
0x2: {  	s1 =	sand.u32 $0x1, s1  }
0x3: {  	p0 =	seq.s32 s1, $0x1  }
.Ltmp0:
0x4: {  	_ = 	snop;
	(pc) =	sbr.rel @p0 .LBB2_4-.Ltmp0, $4  }
0x5: {  	_ = 	snop  }
0x6: {  	s2 =	rddreg [dreg:$0x0];
	s3 =	simm.s32 $0x0  }
0x7: {  	[smem:$0x7FF] =	sst s3  }
0x8: {  	s0 =	rddreg [dreg:$0x1];
	_ =	strace $0x80000047;
	s1 =	stileid.u32  }
0x9: {  	s4 =	sshrl.u32 s1, $0x3  }
0xa: {  	s5 =	sshll.u32 s1, $0x7;
	s4 =	smul.u32 $0x19000, s4  }
0xb: {  	s5 =	sand.u32 $0x380, s5  }
0xc: {  	s4 =	sor.u32 s5, s4  }
0xd: {  	s25 =	sadd.s32 $0x600, s2;
	s26 =	simm.s32 $0x80;
	s4 =	sshrl.u32 s4, $0x3  }
0xe: {  	s6 =	simm.s32 $0x400;
	s28 =	simm.s32 $0x1;
	s4 =	sadd.s32 s25, s4  }
0xf: {  	[tilespmem:s3], [sflag:$0x1] =	stream.strided.gather [hbm4b:s4+s26], $0x3200, s6, s26, $0x38;
	[tilespmem:$0x3400] =	vst v63  }
0x10: {  	_ =	swait.ge [sflag:s28], $0x3200  }
0x11: {  	s29 =	sshll.u32 s1, $0x6;
	[sflag:s28] =	ssyncset.done $0x0  }
0x12: {  	v1 =	vimm.s32 $0x0;
	s31 =	simm.s32 $0x0;
	v0 =	vimm.s32 $0x0;
	s30 =	sadd.s32 s29, s2;
	[sflag:s28] =	ssyncadd.s32 $0xFFFFCE00  }
0x13: {  	v5 =	vimm.s32 $0x0;
	v3 =	vimm.s32 $0x0;
	v2 =	vimm.s32 $0x0;
	s2 =	sadd.s32 $0x6A00, s30;
	s3 =	simm.s32 $0x40;
	v4 =	vld [tilespmem:s31+$0x0]  }
.LBB2_2:
0x14: {  	_ =	sdelay $0x1  }
0x15: {  	p0 =	sne.s32 s3, $0xC7C0  }
.Ltmp1:
0x16: {  	_ = 	snop;
	(pc) =	sbr.rel @p0 .LBB2_2-.Ltmp1, $4  }
0x17: {  	vm0 =	veq.s32 v4, $0x1;
	vm1 =	veq.s32 v4, $0x2;
	vm2 =	veq.s32 v4, $0x4  }
0x18: {  	vm15 =	veq.s32 v4, $0x3;
	v6 =	vsel vm0, $0x1, v1;
	v7 =	vsel vm2, $0x1, v1  }
0x19: {  	s4 =	sshra.s32 s3, $0x2;
	v8 =	vsel vm1, $0x1, v1;
	v9 =	vsel vm15, $0x1, v1;
	v0 =	vadd.s32 v7, v0  }
0x1a: {  	s3 =	sadd.s32 $0x40, s3;
	v4 =	vld [tilespmem:s4+$0x0];
	v5 =	vadd.s32 v6, v5;
	v3 =	vadd.s32 v8, v3;
	v2 =	vadd.s32 v9, v2  }
0x1b: {  	_ =	sdelay $0x3  }
0x1c: {  	vm0 =	veq.s32 v4, $0x1  }
0x1d: {  	vm1 =	veq.s32 v4, $0x2;
	v6 =	vsel vm0, $0x1, v1  }
0x1e: {  	vm14 =	veq.s32 v4, $0x3;
	v7 =	vsel vm1, $0x1, v1;
	v5 =	vadd.s32 v6, v5  }
0x1f: {  	vm15 =	veq.s32 v4, $0x4;
	v62 =	vsel vm14, $0x1, v1;
	v3 =	vadd.s32 v7, v3;
	[tilespmem:$0x3200] =	vst v5  }
0x20: {  	v63 =	vsel vm15, $0x1, v1;
	v2 =	vadd.s32 v62, v2;
	[tilespmem:$0x3280] =	vst v3  }
0x21: {  	v0 =	vadd.s32 v63, v0;
	[tilespmem:$0x3300] =	vst v2  }
0x22: {  	s3 =	simm.s32 $0x0;
	s4 =	simm.s32 $0x3200;
	s31 =	simm.s32 $0x1;
	[tilespmem:$0x3380] =	vst v0  }
0x23: {  	[hbm4b:s2+s3] =	stream.linear.scatter [tilespmem:s4], [sflag:$0x1], $0x200, $0x38;
	[tilespmem:$0x3400] =	vst v63  }
0x24: {  	_ =	swait.ge [sflag:s31], $0x200  }
0x25: {  	[sflag:s31] =	ssyncset.done $0x0  }
0x26: {  	[sflag:s31] =	ssyncadd.s32 $0xFFFFFE00  }
.LBB2_4:
0x27: {  	_ =	sfence.sel $0x180000  }
0x28: {  	[bflag:$0x0] =	sbarrier.arrive $0xFFFF  }
0x29: {  	p0 =	sne.s32 s1, $0x0;
	_ =	strace $0x90000047  }
0x2a: {  	s0 =	sadd.s32 @!p0 $0x100000, s0;
	[bflag:$0x2] =	sbarrier.arrive $0xFFFF  }
0x2b: {  	[sflag:s0] =	ssyncadd.tile.s32 @!p0 $0x1;
	_ =	shalt  }
.Lfunc_end2:
_tile_overlayer_lowered:
.L_overlay_start_2:
0x2c: {  	(tag) =	ssettag $0x2  }
0x2d: {  	s0 =	rddreg [dreg:$0x0];
	s2 =	stileid.u32  }
0x2e: {  	s1 =	rddreg [dreg:$0x1];
	p0 =	sne.s32 s2, $0x0  }
0x2f: {  	s3 =	rddreg [dreg:$0x2];
	[bflag:$0x3] =	sbarrier.arrive $0xFFFF;
	s2 =	simm.s32 @!p0 $0x1C01  }
0x30: {  	[timem:s3], [sflag:s2] =	dma.local @!p0 [hbm:s0], s1  }
0x31: {  	s0 =	simm.s32 @!p0 $0x1  }
0x32: {  	_ =	swait.ge @!p0 [sflag:s0], s1  }
0x33: {  	s1 =	ssub.s32 @!p0 $0x0, s1;
	[sflag:s0] =	ssyncset.done @!p0 $0x0  }
0x34: {  	[sflag:s0] =	ssyncadd.s32 @!p0 s1  }
0x35: {  	[bflag:$0x3] =	sbarrier.arrive $0xFFFF  }
0x36: {  	_ =	shalt  }

// kernel: kernel.9.cloned.1.call-start
scs
__scs_entry_jumppad:
0x0: {  	(pc) =	sbr.rel $0x88, $3  }
0x1: {  	(tag) =	ssettag $0x0;
	lr =	simm.s32 $0x1  }
0x2: {  	[smem:$0x3F9F] =	sst lr;
	_ =	strace $0xD0000000  }
0x3: {  	_ = 	snop  }
0x4: {  	_ = 	snop  }
0x5: {  	_ = 	snop  }
0x6: {  	_ = 	snop  }
0x7: {  	_ = 	snop  }
__scs_overlays_trampoline_lowered:
0x8: {  	[smem:$0x3FAE] =	sst s0  }
0x9: {  	[smem:$0x3FAF] =	sst s1  }
0xa: {  	[smem:$0x3FB0] =	sst s2  }
0xb: {  	[smem:$0x3FB1] =	sst s3  }
0xc: {  	[smem:$0x3FB2] =	sst s4  }
0xd: {  	[smem:$0x3FB3] =	sst s5  }
0xe: {  	[smem:$0x3FB4] =	sst s6  }
0xf: {  	[smem:$0x3FB5] =	sst s7  }
0x10: {  	[smem:$0x3FB6] =	sst s8  }
0x11: {  	[smem:$0x3FB7] =	sst s9;
	s0 =	simm.s32 @!p0 $0x0  }
0x12: {  	s1 =	sld [smem:$0x3F9D];
	s0 =	simm.s32 @p0 $0x1  }
0x13: {  	[smem:$0x3FB8] =	sst s0;
	s0 =	simm.s32 @!p1 $0x0  }
0x14: {  	s2 =	sld [smem:$0x3F9C];
	s0 =	simm.s32 @p1 $0x1  }
0x15: {  	[smem:$0x3FB9] =	sst s0;
	s0 =	simm.s32 @!p2 $0x0  }
0x16: {  	s3 =	sld [smem:$0x3FDB];
	s0 =	simm.s32 @p2 $0x1  }
0x17: {  	s4 =	simm.s32 $0x1BF5;
	[smem:$0x3FBB] =	sst s0  }
0x18: {  	s0 =	sld [smem:$0x3F9E];
	_ =	swait.ge [sflag:s4], $0x0  }
0x19: {  	s7 =	sld [smem:$0x3F9F]  }
0x1a: {  	s8 =	sadd.s32 $0xFFFFE003, lr  }
0x1b: {  	s9 =	sadd.s32 $0xFFFFFEF7, lr;
	s5 =	simm.s32 $0xFFFFFFFF;
	p2 =	slt.u32 s8, $0xFFFFF086  }
0x1c: {  	p1 =	slt.u32 s9, $0xF7A;
	s5 =	simm.s32 @!p2 $0x0  }
0x1d: {  	s5 =	simm.s32 @p1 $0x1;
	p0 =	seq.s32 s7, s2  }
0x1e: {  	s7 =	smul.u32 @!p0 $0xF7A, s2;
	p2 =	seq.s32 @!p0 s5, $0x0  }
0x1f: {  	s9 =	smul.u32 $0xF7A, s1;
	s8 =	simm.s32 @!p0 $0x1BF5;
	p2 =	por !p2, p0  }
0x20: {  	[sflag:s8] =	ssyncset.s32 @!p0 $0xFFFFF086;
	s6 =	sadd.s32 @!p0 s3, s7;
	s7 =	simm.s32 @!p0 $0x108  }
0x21: {  	s3 =	sadd.s32 s3, s9;
	s6 =	sadd.s32 @!p0 $0x88, s6;
	s7 =	simm.s32 @p2 $0x1082  }
0x22: {  	[simem:s7], [sflag:s8] =	dma.local @!p0 [hbm:s6], $0xF7A  }
0x23: {  	s9 =	sor.u32 $0xD0000000, s2;
	s6 =	simm.s32 $0x108;
	_ =	swait.ge @!p0 [sflag:s8], $0x0  }
0x24: {  	s3 =	sadd.s32 $0x88, s3;
	s6 =	simm.s32 @!p1 $0x1082;
	[sflag:s4] =	ssyncset.s32 $0xFFFFF086  }
0x25: {  	[simem:s6], [sflag:s4] =	dma.local [hbm:s3], $0xF7A  }
0x26: {  	[smem:$0x3F9F] =	sst s1;
	(tag) =	ssettag s2;
	_ =	strace s9  }
0x27: {  	s1 =	sld [smem:$0x3FAF]  }
0x28: {  	s2 =	sld [smem:$0x3FB0]  }
0x29: {  	s4 =	sld [smem:$0x3FB2]  }
0x2a: {  	p0 =	seq.s32 s5, $0x0;
	s5 =	sld [smem:$0x3FB3]  }
0x2b: {  	s6 =	sld [smem:$0x3FB4]  }
0x2c: {  	s7 =	sld [smem:$0x3FB5]  }
0x2d: {  	s3 =	simm.s32 $0x108;
	s8 =	sld [smem:$0x3FB6]  }
0x2e: {  	s3 =	simm.s32 @!p0 $0x1082;
	s9 =	sld [smem:$0x3FB7]  }
0x2f: {  	lr =	sadd.s32 s0, s3;
	s0 =	sld [smem:$0x3FAE]  }
0x30: {  	s3 =	sld [smem:$0x3FB1]  }
0x31: {  	[smem:$0x3FBA] =	sst s10  }
0x32: {  	s10 =	sld [smem:$0x3FB8];
	_ =	sdelay $0x3  }
0x33: {  	p0 =	seq.s32 s10, $0x1;
	s10 =	sld [smem:$0x3FBA];
	_ =	sdelay $0x3  }
0x34: {  	[smem:$0x3FBA] =	sst s10  }
0x35: {  	s10 =	sld [smem:$0x3FB9];
	_ =	sdelay $0x3  }
0x36: {  	p1 =	seq.s32 s10, $0x1;
	s10 =	sld [smem:$0x3FBA];
	_ =	sdelay $0x3  }
0x37: {  	[smem:$0x3FBA] =	sst s10  }
0x38: {  	s10 =	sld [smem:$0x3FBB]  }
0x39: {  	_ = 	snop;
	(pc) =	sbr.ind lr, $3  }
0x3a: {  	_ = 	snop  }
0x3b: {  	_ = 	snop  }
0x3c: {  	p2 =	seq.s32 s10, $0x1;
	s10 =	sld [smem:$0x3FBA]  }
0x3d: {  	_ =	shalt  }
0x3e: {  	_ =	shalt  }
0x3f: {  	_ =	shalt  }
0x40: {  	_ =	shalt  }
0x41: {  	_ =	shalt  }
0x42: {  	_ =	shalt  }
0x43: {  	_ =	shalt  }
0x44: {  	_ =	shalt  }
0x45: {  	_ =	shalt  }
0x46: {  	_ =	shalt  }
0x47: {  	_ =	shalt  }
0x48: {  	_ =	shalt  }
0x49: {  	_ =	shalt  }
0x4a: {  	_ =	shalt  }
0x4b: {  	_ =	shalt  }
0x4c: {  	_ =	shalt  }
0x4d: {  	_ =	shalt  }
0x4e: {  	_ =	shalt  }
0x4f: {  	_ =	shalt  }
0x50: {  	_ =	shalt  }
0x51: {  	_ =	shalt  }
0x52: {  	_ =	shalt  }
0x53: {  	_ =	shalt  }
0x54: {  	_ =	shalt  }
0x55: {  	_ =	shalt  }
0x56: {  	_ =	shalt  }
0x57: {  	_ =	shalt  }
0x58: {  	_ =	shalt  }
0x59: {  	_ =	shalt  }
0x5a: {  	_ =	shalt  }
0x5b: {  	_ =	shalt  }
0x5c: {  	_ =	shalt  }
0x5d: {  	_ =	shalt  }
0x5e: {  	_ =	shalt  }
0x5f: {  	_ =	shalt  }
0x60: {  	_ =	shalt  }
0x61: {  	_ =	shalt  }
0x62: {  	_ =	shalt  }
0x63: {  	_ =	shalt  }
0x64: {  	_ =	shalt  }
0x65: {  	_ =	shalt  }
0x66: {  	_ =	shalt  }
0x67: {  	_ =	shalt  }
0x68: {  	_ =	shalt  }
0x69: {  	_ =	shalt  }
0x6a: {  	_ =	shalt  }
0x6b: {  	_ =	shalt  }
0x6c: {  	_ =	shalt  }
0x6d: {  	_ =	shalt  }
0x6e: {  	_ =	shalt  }
0x6f: {  	_ =	shalt  }
0x70: {  	_ =	shalt  }
0x71: {  	_ =	shalt  }
0x72: {  	_ =	shalt  }
0x73: {  	_ =	shalt  }
0x74: {  	_ =	shalt  }
0x75: {  	_ =	shalt  }
0x76: {  	_ =	shalt  }
0x77: {  	_ =	shalt  }
0x78: {  	_ =	shalt  }
0x79: {  	_ =	shalt  }
0x7a: {  	_ =	shalt  }
0x7b: {  	_ =	shalt  }
0x7c: {  	_ =	shalt  }
0x7d: {  	_ =	shalt  }
0x7e: {  	_ =	shalt  }
0x7f: {  	_ =	shalt  }
0x80: {  	_ =	shalt  }
0x81: {  	_ =	shalt  }
0x82: {  	_ =	shalt  }
0x83: {  	_ =	shalt  }
0x84: {  	_ =	shalt  }
0x85: {  	_ =	shalt  }
0x86: {  	_ =	shalt  }
0x87: {  	_ =	shalt  }
.Lfunc_end0:
.L_simem_size_0:
called_computation.1_lowered:
.L_overlay_start_0:
0x88: {  	s2 =	sld [smem:$0x3FD9]  }
0x89: {  	s3 =	sld [smem:$0x3FFE];
	_ =	sdelay $0x1  }
0x8a: {  	s1 =	srdreg.scid  }
0x8b: {  	s0 =	sand.u32 $0x1, s1  }
0x8c: {  	s17 =	sshll.u32 s0, $0xA;
	s2 =	sadd.s32 s3, s2  }
0x8d: {  	s2 =	sadd.s32 s2, s17  }
0x8e: {  	[smem:$0x3FC6] =	sst s2  }
0x8f: {  	_ = 	snop  }
0x90: {  	s2 =	sld [smem:$0x3FD0];
	(tm) =	ssettm $0x1  }
0x91: {  	s18 =	sld [smem:$0x3FFB];
	_ =	sdelay $0x3  }
0x92: {  	_ =	strace s18  }
0x93: {  	s3 =	sld [smem:$0x3FFC];
	_ =	sdelay $0x3  }
0x94: {  	_ =	strace s3  }
0x95: {  	s3 =	sld [smem:$0x3FFD];
	_ =	sdelay $0x3  }
0x96: {  	_ =	strace s3  }
0x97: {  	_ =	strace $0x8FFFFFFF  }
0x98: {  	s19 =	sld [smem:$0x3FDB];
	_ =	sdelay $0x1  }
0x99: {  	s4 =	simm.s32 $_scs_section_size  }
0x9a: {  	s5 =	simm.s32 $_size__tile_overlayer_lowered;
	s6 =	simm.s32 $_tile_overlayer_lowered  }
0x9b: {  	s22 =	simm.s32 $0x1BFF;
	s21 =	sshll.u32 s6, $0x1;
	s3 =	sadd.s32 s4, s19  }
0x9c: {  	s7 =	simm.s32 $0x0;
	s20 =	sshll.u32 s5, $0x1;
	s5 =	sadd.s32 s21, s3  }
0x9d: {  	[timem:s7], [sflag:s22] =	dma.local [hbm:s5], s20  }
0x9e: {  	_ =	swait.ge [sflag:s22], s20  }
0x9f: {  	s4 =	ssub.s32 $0x0, s20;
	[sflag:s22] =	ssyncset.done $0x0  }
0xa0: {  	[sflag:s22] =	ssyncadd.s32 s4;
	_ =	sdelay $0x1  }
0xa1: {  	s23 =	simm.s32 $0x1B8B  }
0xa2: {  	_ =	swait.ge [sflag:s23], $0x1  }
0xa3: {  	[sflag:s23] =	ssyncset.done $0x0  }
0xa4: {  	s25 =	simm.s32 $0x1B8E;
	s24 =	sld [smem:$0x3FFE];
	[sflag:s23] =	ssyncadd.s32 $0xFFFFFFFF  }
0xa5: {  	s26 =	simm.s32 $execute0_lowered;
	[smem:$0x3FD2] =	sst s25  }
0xa6: {  	s5 =	sshll.u32 s26, $0x1;
	_ =	strace $0x80000049;
	[dreg:$0x1] =	wrdreg $0xFFFFFFFF  }
0xa7: {  	s28 =	simm.s32 $_size_execute0_lowered;
	s3 =	sadd.s32 s3, s5;
	[dreg:$0x0] =	wrdreg $0x0  }
0xa8: {  	s5 =	sshll.u32 s28, $0x1;
	[dreg:$0x2] =	wrdreg s3  }
0xa9: {  	[dreg:$0x3] =	wrdreg s5  }
0xaa: {  	[dreg:$0x4] =	wrdreg $0xC0  }
0xab: {  	_ =	task [dreg:s7], $0x5FFFF  }
0xac: {  	[dreg:$0x1] =	wrdreg $0xFFFFFFFF  }
0xad: {  	[dreg:$0x0] =	wrdreg $0x60  }
0xae: {  	[dreg:$0x2] =	wrdreg s24  }
0xaf: {  	[dreg:$0x3] =	wrdreg s2  }
0xb0: {  	[dreg:$0x4] =	wrdreg $0xAB400  }
0xb1: {  	[dreg:$0x5] =	wrdreg $0x9  }
0xb2: {  	_ =	task.clear_ibuf [dreg:s7], $0x6FFFF;
	_ =	strace $0x90000049  }
0xb3: {  	s29 =	simm.s32 $0x9;
	_ =	strace $0x8000004B  }
0xb4: {  	_ =	swait.ge [sflag:s29], $0x1  }
0xb5: {  	[sflag:s29] =	ssyncadd.s32 $0xFFFFFFFF  }
0xb6: {  	_ =	strace $0x9000004B  }
0xb7: {  	_ =	sfence  }
0xb8: {  	s30 =	sld [smem:$0x0];
	_ =	sdelay $0x2  }
0xb9: {  	s31 =	sshll.u32 s1, $0xD;
	s1 =	sshrl.u32 s1, $0x2  }
0xba: {  	s3 =	sand.u32 $0x4000, s31;
	s1 =	sadd.s32 s1, s30  }
0xbb: {  	s0 =	sor.u32 s3, s0;
	s1 =	sshll.u32 s1, $0x11  }
0xbc: {  	s0 =	sor.u32 s1, s0  }
0xbd: {  	s0 =	sadd.s32 $0x8F2B, s0  }
0xbe: {  	[sflag:s0] =	ssyncadd.remote.s32 $0x1  }
0xbf: {  	_ =	sfence.sel $0xFFFF  }
0xc0: {  	[dreg:$0x0] =	wrdreg $0xFFFFFFFF;
	(pc) =	sbr.abs _section_cstart, $3  }
0xc1: {  	[dreg:$0x1] =	wrdreg $0xFFFFFFFF  }
0xc2: {  	_ =	task.clear_ibuf [dreg:s7], $0x2FFFF;
	_ =	strace $0x9FFFFFFF  }
0xc3: {  	(tm) =	ssettm $0x7FFFFFFF  }
tec
execute0_lowered:
.L_overlay_start_1:
0x0: {  	(tag) =	ssettag $0x1  }
0x1: {  	s5 =	srdreg.scid  }
0x2: {  	s6 =	sand.u32 $0x1, s5  }
0x3: {  	p1 =	seq.s32 s6, $0x1  }
.Ltmp0:
0x4: {  	s2 =	rddreg [dreg:$0x0];
	(pc) =	sbr.rel @p1 .LBB2_6-.Ltmp0, $4  }
0x5: {  	s3 =	rddreg [dreg:$0x1]  }
0x6: {  	s1 =	rddreg [dreg:$0x2];
	s4 =	simm.s32 $0x0  }
0x7: {  	[smem:$0x7FF] =	sst s4;
	s5 =	stileid.u32  }
0x8: {  	s0 =	rddreg [dreg:$0x3];
	_ =	strace $0x8000004A;
	p0 =	sne.s32 s5, $0x0  }
0x9: {  	v0 =	vimm.s32 $0x0  }
0xa: {  	[tilespmem:$0x96C0] =	vst v0  }
0xb: {  	[tilespmem:$0x96D0] =	vst v0  }
0xc: {  	[tilespmem:$0x96E0] =	vst v0  }
0xd: {  	[tilespmem:$0x96F0] =	vst v0  }
0xe: {  	[tilespmem:$0x9700] =	vst v0  }
0xf: {  	[tilespmem:$0x9710] =	vst v0  }
0x10: {  	[tilespmem:$0x9720] =	vst v0  }
0x11: {  	[tilespmem:$0x9730] =	vst v0  }
0x12: {  	[tilespmem:$0x9740] =	vst v0  }
0x13: {  	[tilespmem:$0x9750] =	vst v0  }
0x14: {  	[tilespmem:$0x9760] =	vst v0  }
0x15: {  	[tilespmem:$0x9770] =	vst v0  }
0x16: {  	[tilespmem:$0x9780] =	vst v0  }
0x17: {  	[tilespmem:$0x9790] =	vst v0  }
0x18: {  	[tilespmem:$0x97A0] =	vst v0  }
0x19: {  	[tilespmem:$0x97B0] =	vst v0  }
0x1a: {  	[tilespmem:$0x97C0] =	vst v0  }
0x1b: {  	[tilespmem:$0x97D0] =	vst v0  }
0x1c: {  	[tilespmem:$0x97E0] =	vst v0  }
0x1d: {  	[tilespmem:$0x97F0] =	vst v0  }
0x1e: {  	[tilespmem:$0x9800] =	vst v0  }
0x1f: {  	[tilespmem:$0x9810] =	vst v0  }
0x20: {  	[tilespmem:$0x9820] =	vst v0  }
0x21: {  	[tilespmem:$0x9830] =	vst v0  }
0x22: {  	[tilespmem:$0x9840] =	vst v0  }
0x23: {  	[tilespmem:$0x9850] =	vst v0  }
0x24: {  	[tilespmem:$0x9860] =	vst v0  }
0x25: {  	[tilespmem:$0x9870] =	vst v0  }
0x26: {  	[tilespmem:$0x9880] =	vst v0  }
0x27: {  	[tilespmem:$0x9890] =	vst v0  }
0x28: {  	[tilespmem:$0x98A0] =	vst v0  }
0x29: {  	[tilespmem:$0x98B0] =	vst v0  }
0x2a: {  	[tilespmem:$0x98C0] =	vst v0  }
0x2b: {  	[tilespmem:$0x98D0] =	vst v0  }
0x2c: {  	[tilespmem:$0x98E0] =	vst v0  }
0x2d: {  	[tilespmem:$0x98F0] =	vst v0  }
0x2e: {  	[tilespmem:$0x9900] =	vst v0  }
0x2f: {  	[tilespmem:$0x9910] =	vst v0  }
0x30: {  	[tilespmem:$0x9920] =	vst v0  }
0x31: {  	[tilespmem:$0x9930] =	vst v0  }
0x32: {  	[tilespmem:$0x9940] =	vst v0  }
0x33: {  	[tilespmem:$0x9950] =	vst v0  }
0x34: {  	[tilespmem:$0x9960] =	vst v0  }
0x35: {  	[tilespmem:$0x9970] =	vst v0  }
0x36: {  	[tilespmem:$0x9980] =	vst v0  }
0x37: {  	[tilespmem:$0x9990] =	vst v0  }
0x38: {  	[tilespmem:$0x99A0] =	vst v0  }
0x39: {  	[tilespmem:$0x99B0] =	vst v0  }
0x3a: {  	[tilespmem:$0x99C0] =	vst v0  }
0x3b: {  	[tilespmem:$0x99D0] =	vst v0  }
0x3c: {  	[tilespmem:$0x99E0] =	vst v0  }
0x3d: {  	[tilespmem:$0x99F0] =	vst v0  }
0x3e: {  	[tilespmem:$0x9A00] =	vst v0  }
0x3f: {  	[tilespmem:$0x9A10] =	vst v0  }
0x40: {  	[tilespmem:$0x9A20] =	vst v0  }
0x41: {  	[tilespmem:$0x9A30] =	vst v0  }
0x42: {  	[tilespmem:$0x9A40] =	vst v0  }
0x43: {  	[tilespmem:$0x9A50] =	vst v0  }
0x44: {  	[tilespmem:$0x9A60] =	vst v0  }
0x45: {  	[tilespmem:$0x9A70] =	vst v0  }
0x46: {  	[tilespmem:$0x9A80] =	vst v0  }
0x47: {  	[tilespmem:$0x9A90] =	vst v0  }
0x48: {  	[tilespmem:$0x9AA0] =	vst v0  }
0x49: {  	s6 =	simm.s32 @!p0 $0x96C0;
	s23 =	smul.u32 $0x640, s5;
	s7 =	simm.s32 @!p0 $0x2;
	[tilespmem:$0x9AB0] =	vst v0  }
0x4a: {  	[spmem:s1] =	stream.linear.scatter @!p0 [tilespmem:s6], [sflag:$0x2], $0x400, $0x38;
	[tilespmem:$0xAB80] =	vst v63  }
0x4b: {  	_ =	swait.ge @!p0 [sflag:s7], $0x400  }
0x4c: {  	s6 =	sadd.s32 s23, s2;
	[sflag:s7] =	ssyncset.done @!p0 $0x0  }
0x4d: {  	s24 =	simm.s32 $0x2;
	s6 =	sadd.s32 $0x6E00, s6;
	[sflag:s7] =	ssyncadd.s32 @!p0 $0xFFFFFC00  }
0x4e: {  	[tilespmem:s4], [sflag:$0x2] =	stream.linear.gather [hbm4b:s6+s4], $0x3200, $0x38;
	[tilespmem:$0xAB80] =	vst v63  }
0x4f: {  	s25 =	sshll.u32 s5, $0x3;
	_ =	swait.ge [sflag:s24], $0x3200  }
0x50: {  	s7 =	sadd.s32 s25, s2;
	[sflag:s24] =	ssyncset.done $0x0  }
0x51: {  	s8 =	simm.s32 $0x3200;
	s7 =	sadd.s32 $0x800, s7;
	[sflag:s24] =	ssyncadd.s32 $0xFFFFCE00  }
0x52: {  	[tilespmem:s8], [sflag:$0x2] =	stream.linear.gather [hbm4b:s7+s4], $0x40, $0x38;
	[tilespmem:$0xAB80] =	vst v63  }
0x53: {  	_ =	swait.ge [sflag:s24], $0x40  }
0x54: {  	[sflag:s24] =	ssyncset.done $0x0  }
0x55: {  	s26 =	sadd.s32 $0x600, s2;
	s28 =	simm.s32 $0x3240;
	[sflag:s24] =	ssyncadd.s32 $0xFFFFFFC0  }
0x56: {  	[tilespmem:s28], [sflag:$0x2] =	stream.linear.gather [hbm4b:s26+s4], $0x80, $0x38;
	[tilespmem:$0xAB80] =	vst v63  }
0x57: {  	_ =	swait.ge [sflag:s24], $0x80  }
0x58: {  	[sflag:s24] =	ssyncset.done $0x0  }
0x59: {  	[sflag:s24] =	ssyncadd.s32 $0xFFFFFF80  }
0x5a: {  	s29 =	sshll.u32 s5, $0x4;
	v1 =	vld [tilespmem:$0x3280]  }
0x5b: {  	v2 =	vmov s29;
	v3 =	vld [tilespmem:$0x3290]  }
0x5c: {  	v4 =	vlaneseq.u32;
	v2 =	vmul.u32 $0x320, v2;
	v5 =	vld [tilespmem:$0x32A0]  }
0x5d: {  	v4 =	vmul.u32 $0x320, v4;
	v14 =	vld [tilespmem:$0x32B0]  }
0x5e: {  	s30 =	sshll.u32 s5, $0x6;
	v2 =	vbroadcast v2, $0x0;
	v11 =	vld [tilespmem:$0x3200]  }
0x5f: {  	s31 =	sshll.u32 s5, $0x9;
	s9 =	simm.s32 $0x32D0;
	s10 =	simm.s32 $0x10;
	v4 =	vor.u32 $0x1, v4;
	v12 =	vld [tilespmem:$0x3210]  }
0x60: {  	s11 =	simm.s32 $0x64D0;
	s12 =	simm.s32 $0x3;
	s5 =	simm.s32 $0x64D0;
	v8 =	vadd.s32 v4, v2;
	v13 =	vld [tilespmem:$0x3220];
	v6 =	vadd.s32 $0x1, v1  }
0x61: {  	s3 =	sadd.s32 s3, s31;
	s2 =	sadd.s32 $0xD200, s2;
	s6 =	simm.s32 $0x32D0;
	v10 =	vld [tilespmem:$0x3230];
	v7 =	vadd.s32 $0x1, v3;
	v3 =	vadd.s32 $0x100, v3;
	v4 =	vadd.s32 $0x1, v5  }
0x62: {  	s7 =	simm.s32 $0x1;
	s8 =	simm.s32 $0x10;
	s4 =	sadd.s32 s30, s1;
	v2 =	vadd.s32 $0x200, v5;
	v9 =	vadd.s32 $0x1, v14;
	v5 =	vadd.s32 $0x300, v14;
	v14 =	vld [tilespmem:s10+$0xFFFFFFF0]  }
.LBB2_2:
0x63: {  	_ =	sdelay $0x3  }
0x64: {  	s9 =	sadd.s32 $0x20, s9;
	s10 =	sadd.s32 $0x20, s10;
	s11 =	sadd.s32 $0x20, s11;
	vm2 =	veq.s32 v14, $0x1;
	vm3 =	veq.s32 v14, $0x2;
	vm0 =	veq.s32 v14, $0x3  }
0x65: {  	p1 =	sne.s32 s12, $0x31F;
	s13 =	smov.u32 s12;
	s12 =	sadd.s32 $0x2, s12;
	vm1 =	veq.s32 v14, $0x4;
	v15 =	vsel vm3, $0x1, v0;
	v16 =	vsel vm0, $0x1, v0  }
0x66: {  	v14 =	vsel vm2, $0x1, v0;
	v12 =	vadd.s32 v15, v12;
	v13 =	vadd.s32 v16, v13  }
0x67: {  	v11 =	vadd.s32 v14, v11;
	v14 =	vadd.s32 v7, v12;
	v15 =	vadd.s32 v2, v13  }
0x68: {  	v16 =	vadd.s32 v1, v11;
	v17 =	vadd.s32 v3, v12;
	vm4 =	vgt.s32 v15, $0x200  }
0x69: {  	vm5 =	vgt.s32 v16, $0x0;
	vm6 =	vgt.s32 v14, $0x0;
	v14 =	vsel vm1, $0x1, v0  }
0x6a: {  	v18 =	vadd.s32 v4, v13;
	vm7 =	vgt.s32 v17, $0x100;
	v15 =	vnsel vm4, $0x200, v15  }
0x6b: {  	v16 =	vnsel vm5, $0x0, v16;
	vm4 =	vmand vm3, vm6;
	vm5 =	vgt.s32 v18, $0x0  }
0x6c: {  	v17 =	vnsel vm7, $0x100, v17;
	v16 =	vnsel vm2, $0x0, v16;
	vm5 =	vmand vm0, vm5  }
0x6d: {  	v18 =	vadd.s32 v6, v11;
	v17 =	vnsel vm3, $0x0, v17;
	v19 =	vsel vm5, $0x1, v0  }
0x6e: {  	v10 =	vadd.s32 v14, v10;
	vm3 =	vgt.s32 v18, $0x0;
	v16 =	vadd.s32 v16, v17  }
0x6f: {  	v14 =	vsel vm4, $0x1, v0;
	vm2 =	vmand vm2, vm3;
	v17 =	vadd.s32 v9, v10  }
0x70: {  	v18 =	vsel vm2, $0x1, v0;
	vm2 =	vgt.s32 v17, $0x0;
	v17 =	vadd.s32 v5, v10  }
0x71: {  	v14 =	vadd.s32 v18, v14;
	vm2 =	vmand vm1, vm2;
	vm3 =	vgt.s32 v17, $0x300  }
0x72: {  	s14 =	sadd.s32 $0xFFFFFFFF, s7;
	v14 =	vadd.s32 v19, v14;
	v18 =	vsel vm2, $0x1, v0;
	v17 =	vnsel vm3, $0x300, v17  }
0x73: {  	v15 =	vnsel vm0, $0x0, v15;
	v19 =	vadd.s32 s14, v8;
	v14 =	vadd.s32 v18, v14  }
0x74: {  	v14 =	vmul.u32 v19, v14  }
0x75: {  	v15 =	vadd.s32 v15, v16;
	v16 =	vnsel vm1, $0x0, v17  }
0x76: {  	v15 =	vadd.s32 v16, v15;
	[tilespmem:s5+$0xFFFFFFF0] =	vst v14  }
0x77: {  	[tilespmem:s6+$0xFFFFFFF0] =	vst v15  }
0x78: {  	v14 =	vld [tilespmem:s8+$0x0];
	s8 =	smov.u32 s10;
	_ =	sdelay $0x3  }
0x79: {  	v15 =	vadd.s32 s7, v8;
	s7 =	smov.u32 s13  }
0x7a: {  	vm2 =	veq.s32 v14, $0x1;
	vm1 =	veq.s32 v14, $0x2;
	vm0 =	veq.s32 v14, $0x4  }
0x7b: {  	v16 =	vsel vm2, $0x1, v0;
	v17 =	vsel vm1, $0x1, v0;
	v18 =	vsel vm0, $0x1, v0  }
0x7c: {  	v11 =	vadd.s32 v16, v11;
	v12 =	vadd.s32 v17, v12;
	v10 =	vadd.s32 v18, v10  }
0x7d: {  	v16 =	vadd.s32 v6, v11;
	v17 =	vadd.s32 v7, v12;
	v18 =	vadd.s32 v9, v10  }
0x7e: {  	vm3 =	vgt.s32 v16, $0x0;
	vm4 =	vgt.s32 v17, $0x0;
	vm5 =	vgt.s32 v18, $0x0  }
0x7f: {  	vm3 =	vmand vm2, vm3;
	vm4 =	vmand vm1, vm4;
	vm5 =	vmand vm0, vm5  }
0x80: {  	v16 =	vsel vm3, $0x1, v0;
	v17 =	vsel vm4, $0x1, v0;
	vm3 =	veq.s32 v14, $0x3  }
0x81: {  	v14 =	vadd.s32 v1, v11;
	v16 =	vadd.s32 v16, v17;
	v17 =	vsel vm3, $0x1, v0  }
0x82: {  	vm4 =	vgt.s32 v14, $0x0;
	v13 =	vadd.s32 v17, v13;
	v17 =	vsel vm5, $0x1, v0  }
0x83: {  	v18 =	vadd.s32 v3, v12;
	v14 =	vnsel vm4, $0x0, v14;
	v19 =	vadd.s32 v4, v13  }
0x84: {  	v14 =	vnsel vm2, $0x0, v14;
	vm2 =	vgt.s32 v18, $0x100;
	vm4 =	vgt.s32 v19, $0x0  }
0x85: {  	v18 =	vnsel vm2, $0x100, v18;
	v19 =	vadd.s32 v5, v10;
	vm2 =	vmand vm3, vm4  }
0x86: {  	v21 =	vadd.s32 v2, v13;
	v18 =	vnsel vm1, $0x0, v18;
	v20 =	vsel vm2, $0x1, v0  }
0x87: {  	vm1 =	vgt.s32 v21, $0x200;
	vm2 =	vgt.s32 v19, $0x300;
	v16 =	vadd.s32 v20, v16  }
0x88: {  	v20 =	vnsel vm1, $0x200, v21;
	v19 =	vnsel vm2, $0x300, v19;
	v16 =	vadd.s32 v17, v16  }
0x89: {  	v14 =	vadd.s32 v14, v18;
	v17 =	vnsel vm3, $0x0, v20;
	v15 =	vmul.u32 v15, v16  }
.Ltmp1:
0x8a: {  	v14 =	vadd.s32 v17, v14;
	v16 =	vnsel vm0, $0x0, v19;
	(pc) =	sbr.rel @p1 .LBB2_2-.Ltmp1, $3  }
0x8b: {  	v14 =	vadd.s32 v16, v14;
	[tilespmem:s5+$0x0] =	vst v15;
	s5 =	smov.u32 s11  }
0x8c: {  	[tilespmem:s6+$0x0] =	vst v14;
	s6 =	smov.u32 s9;
	_ =	sdelay $0x1  }
0x8d: {  	v14 =	vld [tilespmem:s10+$0xFFFFFFF0]  }
0x8e: {  	_ =	sdelay $0x1  }
0x8f: {  	s9 =	sadd.s32 $0xFFFFFFFF, s7  }
0x90: {  	v43 =	vadd.s32 s9, v8  }
0x91: {  	vm2 =	veq.s32 v14, $0x2;
	vm3 =	veq.s32 v14, $0x1;
	vm0 =	veq.s32 v14, $0x3  }
0x92: {  	vm1 =	veq.s32 v14, $0x4;
	v15 =	vsel vm2, $0x1, v0;
	v16 =	vsel vm0, $0x1, v0  }
0x93: {  	v31 =	vsel vm3, $0x1, v0;
	v35 =	vsel vm1, $0x1, v0;
	v12 =	vadd.s32 v15, v12  }
0x94: {  	v13 =	vadd.s32 v16, v13;
	v11 =	vadd.s32 v31, v11;
	v10 =	vadd.s32 v35, v10  }
0x95: {  	v32 =	vadd.s32 v7, v12;
	v33 =	vadd.s32 v2, v13;
	v34 =	vadd.s32 v1, v11  }
0x96: {  	v17 =	vadd.s32 v3, v12;
	v18 =	vadd.s32 v4, v13;
	v36 =	vadd.s32 v6, v11  }
0x97: {  	v38 =	vadd.s32 v9, v10;
	v41 =	vadd.s32 v5, v10;
	vm4 =	vgt.s32 v33, $0x200  }
0x98: {  	vm5 =	vgt.s32 v34, $0x0;
	vm6 =	vgt.s32 v32, $0x0;
	vm7 =	vgt.s32 v17, $0x100  }
0x99: {  	vm8 =	vgt.s32 v18, $0x0;
	vm9 =	vgt.s32 v36, $0x0;
	vm10 =	vgt.s32 v38, $0x0  }
0x9a: {  	vm12 =	vgt.s32 v41, $0x300;
	v16 =	vnsel vm5, $0x0, v34;
	v17 =	vnsel vm7, $0x100, v17  }
0x9b: {  	vm15 =	vmand vm2, vm6;
	v17 =	vnsel vm2, $0x0, v17;
	vm2 =	vmand vm3, vm9  }
0x9c: {  	vm5 =	vmand vm0, vm8;
	v19 =	vsel vm15, $0x1, v0;
	v39 =	vsel vm2, $0x1, v0  }
0x9d: {  	vm11 =	vmand vm1, vm10;
	v37 =	vsel vm5, $0x1, v0;
	v40 =	vadd.s32 v39, v19  }
0x9e: {  	v15 =	vnsel vm4, $0x200, v33;
	v42 =	vsel vm11, $0x1, v0;
	v14 =	vadd.s32 v37, v40  }
0x9f: {  	v44 =	vnsel vm12, $0x300, v41;
	v16 =	vnsel vm3, $0x0, v16;
	v14 =	vadd.s32 v42, v14  }
0xa0: {  	v15 =	vnsel vm0, $0x0, v15;
	v16 =	vadd.s32 v16, v17;
	v14 =	vmul.u32 v43, v14  }
0xa1: {  	v45 =	vnsel vm1, $0x0, v44;
	v15 =	vadd.s32 v15, v16  }
0xa2: {  	v15 =	vadd.s32 v45, v15;
	[tilespmem:s5+$0xFFFFFFF0] =	vst v14  }
0xa3: {  	[tilespmem:s6+$0xFFFFFFF0] =	vst v15  }
0xa4: {  	v14 =	vld [tilespmem:s8+$0x0];
	_ =	sdelay $0x3  }
0xa5: {  	v46 =	vadd.s32 s7, v8  }
0xa6: {  	vm13 =	veq.s32 v14, $0x1;
	vm1 =	veq.s32 v14, $0x2;
	vm0 =	veq.s32 v14, $0x4  }
0xa7: {  	vm9 =	veq.s32 v14, $0x3;
	v47 =	vsel vm13, $0x1, v0;
	v48 =	vsel vm1, $0x1, v0  }
0xa8: {  	v49 =	vsel vm0, $0x1, v0;
	v56 =	vsel vm9, $0x1, v0;
	v11 =	vadd.s32 v47, v11  }
0xa9: {  	v12 =	vadd.s32 v48, v12;
	v10 =	vadd.s32 v49, v10;
	v50 =	vadd.s32 v6, v11  }
0xaa: {  	v51 =	vadd.s32 v7, v12;
	v52 =	vadd.s32 v9, v10;
	v55 =	vadd.s32 v1, v11  }
0xab: {  	v7 =	vadd.s32 v56, v13;
	v58 =	vadd.s32 v3, v12;
	v60 =	vadd.s32 v5, v10  }
0xac: {  	vm14 =	vgt.s32 v50, $0x0;
	vm15 =	vgt.s32 v51, $0x0;
	vm8 =	vgt.s32 v52, $0x0  }
0xad: {  	vm10 =	vgt.s32 v55, $0x0;
	v59 =	vadd.s32 v4, v7;
	vm11 =	vgt.s32 v58, $0x100  }
0xae: {  	v62 =	vadd.s32 v2, v7;
	vm3 =	vmand vm13, vm14;
	vm4 =	vmand vm1, vm15  }
0xaf: {  	vm5 =	vmand vm0, vm8;
	v1 =	vnsel vm10, $0x0, v55;
	vm12 =	vgt.s32 v59, $0x0  }
0xb0: {  	v3 =	vnsel vm11, $0x100, v58;
	vm14 =	vgt.s32 v62, $0x200;
	v53 =	vsel vm3, $0x1, v0  }
0xb1: {  	v54 =	vsel vm4, $0x1, v0;
	v1 =	vnsel vm13, $0x0, v1;
	vm13 =	vmand vm9, vm12  }
0xb2: {  	vm15 =	vgt.s32 v60, $0x300;
	v6 =	vadd.s32 v53, v54;
	v61 =	vsel vm13, $0x1, v0  }
0xb3: {  	v57 =	vsel vm5, $0x1, v0;
	v3 =	vnsel vm1, $0x0, v3;
	v0 =	vadd.s32 v61, v6  }
0xb4: {  	v2 =	vnsel vm14, $0x200, v62;
	v4 =	vnsel vm15, $0x300, v60;
	v0 =	vadd.s32 v57, v0  }
0xb5: {  	v1 =	vadd.s32 v1, v3;
	v2 =	vnsel vm9, $0x0, v2;
	v0 =	vmul.u32 v46, v0  }
0xb6: {  	v63 =	vnsel vm0, $0x0, v4;
	v1 =	vadd.s32 v2, v1  }
0xb7: {  	v1 =	vadd.s32 v63, v1;
	[tilespmem:s5+$0x0] =	vst v0  }
0xb8: {  	s7 =	simm.s32 $0x64C0;
	s8 =	simm.s32 $0x32C0;
	[tilespmem:s6+$0x0] =	vst v1  }
0xb9: {  	s5 =	simm.s32 $0x80;
	s6 =	simm.s32 $0x200;
	[bflag:$0x0] =	sbarrier.arrive $0xFFFF  }
.LBB2_4:
0xba: {  	[spmem:s1] =	stream.indirect.scatter.add.s32 [tilespmem:s7], [sflag:$0x1], $0x1, s8, s5, $0xb8;
	[tilespmem:$0xAB80] =	vst v63  }
0xbb: {  	s7 =	smov.u32 s6;
	p1 =	sne.s32 s6, $0xC600  }
.Ltmp2:
0xbc: {  	s6 =	sadd.s32 $0x200, s6;
	(pc) =	sbr.rel @p1 .LBB2_4-.Ltmp2, $3  }
0xbd: {  	_ =	sdelay $0x1  }
0xbe: {  	s8 =	sshra.s32 s7, $0x2  }
0xbf: {  	s7 =	sadd.s32 $0x64C0, s8;
	s8 =	sadd.s32 $0x32C0, s8  }
0xc0: {  	[spmem:s1] =	stream.indirect.scatter.add.s32 [tilespmem:s7], [sflag:$0x1], $0x1, s8, s5, $0xb8;
	[tilespmem:$0xAB80] =	vst v63  }
0xc1: {  	s25 =	simm.s32 $0x1  }
0xc2: {  	_ =	swait.ge [sflag:s25], $0x3200  }
0xc3: {  	[sflag:s25] =	ssyncset.done $0x0  }
0xc4: {  	[sflag:s25] =	ssyncadd.s32 $0xFFFFCE00  }
0xc5: {  	s26 =	simm.s32 $0x9AC0;
	s28 =	simm.s32 $0x2;
	[bflag:$0x0] =	sbarrier.arrive $0xFFFF  }
0xc6: {  	[tilespmem:s26], [sflag:$0x2] =	stream.linear.gather [spmem:s4], $0x40, $0x38;
	[tilespmem:$0xAB80] =	vst v63  }
0xc7: {  	_ =	swait.ge [sflag:s28], $0x40  }
0xc8: {  	[sflag:s28] =	ssyncset.done $0x0  }
0xc9: {  	[sflag:s28] =	ssyncadd.s32 $0xFFFFFFC0  }
0xca: {  	v0 =	vld [tilespmem:$0x9AC0]  }
0xcb: {  	v1 =	vld [tilespmem:$0x9AD0]  }
0xcc: {  	v2 =	vld [tilespmem:$0x9AE0]  }
0xcd: {  	v3 =	vld [tilespmem:$0x9AF0];
	_ =	sdelay $0x1  }
0xce: {  	v0 =	vadd.s32 $0xFFFFFFFF, v0  }
0xcf: {  	v1 =	vadd.s32 $0xFFFFFFFF, v1;
	vm0 =	vgt.s32 v0, $0x0  }
0xd0: {  	v2 =	vadd.s32 $0xFFFFFFFF, v2;
	vm13 =	vgt.s32 v1, $0x0;
	v0 =	vnsel vm0, $0x0, v0  }
0xd1: {  	v61 =	vadd.s32 $0xFFFFFFFF, v3;
	vm14 =	vgt.s32 v2, $0x0;
	v60 =	vnsel vm13, $0x0, v1;
	[tilespmem:$0x9B00] =	vst v0  }
0xd2: {  	vm15 =	vgt.s32 v61, $0x0;
	v62 =	vnsel vm14, $0x0, v2;
	[tilespmem:$0x9B10] =	vst v60  }
0xd3: {  	v63 =	vnsel vm15, $0x0, v61;
	[tilespmem:$0x9B20] =	vst v62  }
0xd4: {  	s29 =	simm.s32 $0x40;
	s6 =	simm.s32 $0x9B00;
	s30 =	simm.s32 $0x9B40;
	[tilespmem:$0x9B30] =	vst v63  }
0xd5: {  	[tilespmem:s30], [sflag:$0x1] =	stream.indirect.gather [hbm4b:s2+s29], $0x40, s6, s29, $0xb8;
	[tilespmem:$0xAB80] =	vst v63  }
0xd6: {  	_ =	swait.ge [sflag:s25], $0x1000  }
0xd7: {  	[sflag:s25] =	ssyncset.done $0x0  }
0xd8: {  	s31 =	simm.s32 $0x0;
	[sflag:s25] =	ssyncadd.s32 $0xFFFFF000  }
0xd9: {  	[hbm4b:s3+s31] =	stream.linear.scatter [tilespmem:s30], [sflag:$0x2], $0x1000, $0x38;
	[tilespmem:$0xAB80] =	vst v63  }
0xda: {  	_ =	swait.ge [sflag:s28], $0x1000  }
0xdb: {  	[sflag:s28] =	ssyncset.done $0x0  }
0xdc: {  	[sflag:s28] =	ssyncadd.s32 $0xFFFFF000  }
.LBB2_6:
0xdd: {  	_ =	sfence.sel $0x180000  }
0xde: {  	[bflag:$0x0] =	sbarrier.arrive $0xFFFF  }
0xdf: {  	_ =	strace $0x9000004A  }
0xe0: {  	s0 =	sadd.s32 @!p0 $0x100000, s0;
	[bflag:$0x2] =	sbarrier.arrive $0xFFFF  }
0xe1: {  	[sflag:s0] =	ssyncadd.tile.s32 @!p0 $0x1;
	_ =	shalt  }
.Lfunc_end2:
_tile_overlayer_lowered:
.L_overlay_start_2:
0xe2: {  	(tag) =	ssettag $0x2  }
0xe3: {  	s0 =	rddreg [dreg:$0x0];
	s2 =	stileid.u32  }
0xe4: {  	s1 =	rddreg [dreg:$0x1];
	p0 =	sne.s32 s2, $0x0  }
0xe5: {  	s3 =	rddreg [dreg:$0x2];
	[bflag:$0x3] =	sbarrier.arrive $0xFFFF;
	s2 =	simm.s32 @!p0 $0x1C02  }
0xe6: {  	[timem:s3], [sflag:s2] =	dma.local @!p0 [hbm:s0], s1  }
0xe7: {  	s0 =	simm.s32 @!p0 $0x2  }
0xe8: {  	_ =	swait.ge @!p0 [sflag:s0], s1  }
0xe9: {  	s1 =	ssub.s32 @!p0 $0x0, s1;
	[sflag:s0] =	ssyncset.done @!p0 $0x0  }
0xea: {  	[sflag:s0] =	ssyncadd.s32 @!p0 s1  }
0xeb: {  	[bflag:$0x3] =	sbarrier.arrive $0xFFFF  }
0xec: {  	_ =	shalt  }

</sc_bundles>
